<compile_context>
chip_gen: v7x
topology: tpu7x:2x2x1
jax: 0.10.2.dev20260603
libtpu: 0.0.44.dev20260713+nightly
codegen_flags: <defaults>
</compile_context>

<pallas_src>
import functools

import jax
import jax.numpy as jnp
from jax import lax
from jax.experimental import pallas as pl
from jax.experimental.pallas import tpu as pltpu
from jax.experimental.pallas import tpu_sc as plsc

THRESH = 0.5
B, C = 16384, 4096
L = 16
NC, NS = 2, 16
NW = NC * NS
ROWS_PER_W = B // NW
NCHUNK = C // L
G = 2
NG = ROWS_PER_W // G

_mesh = plsc.VectorSubcoreMesh(core_axis_name="c", subcore_axis_name="s")


@functools.partial(
    pl.kernel,
    mesh=_mesh,
    out_type=jax.ShapeDtypeStruct((B, C), jnp.int32),
    compiler_params=pltpu.CompilerParams(needs_layout_passes=False),
    scratch_types=[
        pltpu.VMEM((G, C), jnp.float32),
        pltpu.VMEM((G, C), jnp.float32),
        pltpu.VMEM((G, C), jnp.int32),
        pltpu.VMEM((G, C), jnp.int32),
        pltpu.SemaphoreType.DMA,
        pltpu.SemaphoreType.DMA,
        pltpu.SemaphoreType.DMA,
        pltpu.SemaphoreType.DMA,
    ],
)
def _compact(probs_hbm, out_hbm, p0, p1, o0, o1, si0, si1, so0, so1):
    pv = (p0, p1)
    ov = (o0, o1)
    si = (si0, si1)
    so = (so0, so1)
    wid = lax.axis_index("s") * NC + lax.axis_index("c")
    row0 = wid * ROWS_PER_W
    lane = lax.iota(jnp.int32, L)
    neg1 = jnp.full((L,), -1, jnp.int32)

    def in_cp(g, slot):
        return pltpu.make_async_copy(
            probs_hbm.at[pl.ds(row0 + g * G, G)], pv[slot], si[slot])

    def out_cp(g, slot):
        return pltpu.make_async_copy(
            ov[slot], out_hbm.at[pl.ds(row0 + g * G, G)], so[slot])

    def compact_group(slot):
        pb = pv[slot]
        ob = ov[slot]
        zero = jnp.zeros((L,), jnp.int32)

        @plsc.parallel_loop(0, NCHUNK, unroll=8)
        def fill_body(j):
            col = j * L
            for r in range(G):
                ob[r, pl.ds(col, L)] = neg1

        @plsc.parallel_loop(0, NCHUNK, unroll=8, carry=((zero - 1,) * G, lane))
        def chunk_body(j, carry):
            offs, ids = carry
            col = j * L
            new_offs = []
            for r in range(G):
                p = pb[r, pl.ds(col, L)]
                m = p >= jnp.float32(THRESH)
                inc = plsc.cumsum(m.astype(jnp.int32))
                plsc.store_scatter(
                    ob, [jnp.full((L,), r, jnp.int32), offs[r] + inc],
                    ids, mask=m)
                new_offs.append(offs[r] + plsc.all_reduce_population_count(m))
            return tuple(new_offs), ids + L

    in_cp(0, 0).start()

    def pair_body(it, carry):
        for b in (0, 1):
            g = it * 2 + b
            in_cp(g, b).wait()
            in_cp(jnp.minimum(g + 1, NG - 1), 1 - b).start()

            @pl.when(it >= 1)
            def _():
                out_cp(g - 2, b).wait()

            compact_group(b)
            out_cp(g, b).start()
        return carry

    lax.fori_loop(0, NG // 2, pair_body, 0)

    in_cp(NG - 1, 0).wait()
    out_cp(NG - 2, 0).wait()
    out_cp(NG - 1, 1).wait()


def kernel(probs):
    return _compact(probs)

# --- scband reference (transcript-rebuilt; emitter-appended) ---
"""Pipeline reference for scband-probs-to-multi-indices-85478439125292 (READ-ONLY COPY).

The authoritative reference and input builder live on the scoring server;
editing this copy changes nothing except your own understanding.
"""

import jax, jax.numpy as jnp
import numpy as np

THRESHOLD = 0.5
PADDING_IDX = -1


def setup_inputs(seed: int = 0) -> dict:
    key = jax.random.key(seed)
    probs = jax.random.uniform(key, (16384, 4096), dtype=jnp.float32)
    return {"probs": probs}


def reference(probs):
    # probs_to_multi_indices: for each row, return the class indices whose
    # probability >= threshold, left-packed in ascending order, padded with
    # padding_idx. For a fixed-shape JAX reference we keep the full width C
    # (the torch version truncates to the max per-row count; padding semantics
    # are identical).
    B, C = probs.shape
    mask = probs >= THRESHOLD
    class_ids = jnp.arange(C, dtype=jnp.int64)[None, :]
    # sentinel C sorts after every valid index
    idx = jnp.where(mask, class_ids, jnp.int64(C))
    sorted_idx = jnp.sort(idx, axis=1)
    out = jnp.where(sorted_idx == C, jnp.int64(PADDING_IDX), sorted_idx)
    return out

if __name__ == "__main__":
    import jax
    _d = setup_inputs()
    print(jax.jit(kernel)(*tuple(_d.values())))

</pallas_src>

<mosaic_0001>
#map = affine_map<(d0, d1) -> (0, 0)>
module attributes {stable_mosaic.version = 14 : i64} {
  func.func @_compact(%arg0: i32, %arg1: i32, %arg2: memref<16384x4096xf32, #tpu.memory_space<hbm>>, %arg3: memref<16384x4096xi32, #tpu.memory_space<hbm>>, %arg4: memref<2x4096xf32, #tpu.memory_space<vmem>>, %arg5: memref<2x4096xf32, #tpu.memory_space<vmem>>, %arg6: memref<2x4096xi32, #tpu.memory_space<vmem>>, %arg7: memref<2x4096xi32, #tpu.memory_space<vmem>>, %arg8: memref<!tpu.dma_semaphore, #tpu.memory_space<semaphore_mem>>, %arg9: memref<!tpu.dma_semaphore, #tpu.memory_space<semaphore_mem>>, %arg10: memref<!tpu.dma_semaphore, #tpu.memory_space<semaphore_mem>>, %arg11: memref<!tpu.dma_semaphore, #tpu.memory_space<semaphore_mem>>) attributes {dimension_semantics = [#tpu.dimension_semantics<core_parallel>, #tpu.dimension_semantics<subcore_parallel>], iteration_bounds = array<i64: 2, 16>, scalar_prefetch = 0 : i64, scratch_operands = 8 : i64, tpu.core_type = #tpu.core_type<sc_vector_subcore>, window_params = [{transform_indices = #map}, {transform_indices = #map}]} {
    %mul3A = arith.constant 2 : i32
    %mul3A_0 = arith.muli %arg1, %mul3A : i32
    %add3A = arith.addi %mul3A_0, %arg0 : i32
    %mul3A_1 = arith.constant 512 : i32
    %mul3A_2 = arith.muli %add3A, %mul3A_1 : i32
    %iota3A = tpu.iota {dimensions = array<i32: 0>} : vector<16xi32>
    %broadcast_in_dim3A = arith.constant -1 : i32
    %broadcast_in_dim3A_3 = vector.broadcast %broadcast_in_dim3A : i32 to vector<16xi32>
    %add3A_4 = arith.constant 0 : i32
    %add3A_5 = arith.addi %mul3A_2, %add3A_4 : i32
    %dma_start3A = arith.constant 0 : i32
    %dma_start3A_6 = tpu.memref_slice %arg2[%add3A_5, %dma_start3A] : memref<16384x4096xf32, #tpu.memory_space<hbm>> -> memref<2x4096xf32, #tpu.memory_space<hbm>>
    %dma_start3A_7 = arith.constant 0 : i32
    %dma_start3A_8 = tpu.memref_slice %arg2[%add3A_5, %dma_start3A_7] : memref<16384x4096xf32, #tpu.memory_space<hbm>> -> memref<2x4096xf32, #tpu.memory_space<hbm>>
    tpu.enqueue_dma source(%dma_start3A_8 : memref<2x4096xf32, #tpu.memory_space<hbm>>) target(%arg4 : memref<2x4096xf32, #tpu.memory_space<vmem>>) target_semaphore(%arg8 : memref<!tpu.dma_semaphore, #tpu.memory_space<semaphore_mem>>)
    %scan3A = arith.constant 0 : i32
    %scan3A_9 = arith.constant 0 : i32
    %scan3A_10 = arith.constant 128 : i32
    %scan3A_11 = arith.addi %scan3A_9, %scan3A_10 : i32
    %scan3A_12 = arith.constant 1 : i32
    scf.for %scan3A_31 = %scan3A_9 to %scan3A_11 step %scan3A_12  : i32 {
      %mul3A_32 = arith.constant 2 : i32
      %mul3A_33 = arith.muli %scan3A_31, %mul3A_32 : i32
      %add3A_34 = arith.constant 0 : i32
      %add3A_35 = arith.addi %mul3A_33, %add3A_34 : i32
      %mul3A_36 = arith.constant 2 : i32
      %mul3A_37 = arith.muli %add3A_35, %mul3A_36 : i32
      %add3A_38 = arith.addi %mul3A_2, %mul3A_37 : i32
      %dma_wait3A_39 = arith.constant 0 : i32
      %dma_wait3A_40 = tpu.memref_slice %arg2[%add3A_38, %dma_wait3A_39] : memref<16384x4096xf32, #tpu.memory_space<hbm>> -> memref<2x4096xf32, #tpu.memory_space<hbm>>
      %dma_wait3A_41 = arith.constant 0 : i32
      %dma_wait3A_42 = tpu.memref_slice %arg2[%add3A_38, %dma_wait3A_41] : memref<16384x4096xf32, #tpu.memory_space<hbm>> -> memref<2x4096xf32, #tpu.memory_space<hbm>>
      tpu.wait_dma2 semaphore(%arg8 : memref<!tpu.dma_semaphore, #tpu.memory_space<semaphore_mem>>) src(%dma_wait3A_42 : memref<2x4096xf32, #tpu.memory_space<hbm>>) dst(%arg4 : memref<2x4096xf32, #tpu.memory_space<vmem>>)
      %add3A_43 = arith.constant 1 : i32
      %add3A_44 = arith.addi %add3A_35, %add3A_43 : i32
      %min3A = arith.constant 255 : i32
      %min3A_45 = arith.minsi %add3A_44, %min3A : i32
      %mul3A_46 = arith.constant 2 : i32
      %mul3A_47 = arith.muli %min3A_45, %mul3A_46 : i32
      %add3A_48 = arith.addi %mul3A_2, %mul3A_47 : i32
      %dma_start3A_49 = arith.constant 0 : i32
      %dma_start3A_50 = tpu.memref_slice %arg2[%add3A_48, %dma_start3A_49] : memref<16384x4096xf32, #tpu.memory_space<hbm>> -> memref<2x4096xf32, #tpu.memory_space<hbm>>
      %dma_start3A_51 = arith.constant 0 : i32
      %dma_start3A_52 = tpu.memref_slice %arg2[%add3A_48, %dma_start3A_51] : memref<16384x4096xf32, #tpu.memory_space<hbm>> -> memref<2x4096xf32, #tpu.memory_space<hbm>>
      tpu.enqueue_dma source(%dma_start3A_52 : memref<2x4096xf32, #tpu.memory_space<hbm>>) target(%arg5 : memref<2x4096xf32, #tpu.memory_space<vmem>>) target_semaphore(%arg9 : memref<!tpu.dma_semaphore, #tpu.memory_space<semaphore_mem>>)
      %ge3A = arith.constant 1 : i32
      %ge3A_53 = arith.cmpi sge, %scan3A_31, %ge3A : i32
      %convert_element_type3A = arith.extui %ge3A_53 : i1 to i32
      %cond3A = arith.constant 0 : i32
      %cond3A_54 = arith.cmpi ne, %convert_element_type3A, %cond3A : i32
      scf.if %cond3A_54 {
        %sub3A_118 = arith.constant 2 : i32
        %sub3A_119 = arith.subi %add3A_35, %sub3A_118 : i32
        %mul3A_120 = arith.constant 2 : i32
        %mul3A_121 = arith.muli %sub3A_119, %mul3A_120 : i32
        %add3A_122 = arith.addi %mul3A_2, %mul3A_121 : i32
        %dma_wait3A_123 = arith.constant 0 : i32
        %dma_wait3A_124 = tpu.memref_slice %arg3[%add3A_122, %dma_wait3A_123] : memref<16384x4096xi32, #tpu.memory_space<hbm>> -> memref<2x4096xi32, #tpu.memory_space<hbm>>
        %dma_wait3A_125 = arith.constant 0 : i32
        %dma_wait3A_126 = tpu.memref_slice %arg3[%add3A_122, %dma_wait3A_125] : memref<16384x4096xi32, #tpu.memory_space<hbm>> -> memref<2x4096xi32, #tpu.memory_space<hbm>>
        tpu.wait_dma2 semaphore(%arg10 : memref<!tpu.dma_semaphore, #tpu.memory_space<semaphore_mem>>) src(%arg6 : memref<2x4096xi32, #tpu.memory_space<vmem>>) dst(%dma_wait3A_126 : memref<2x4096xi32, #tpu.memory_space<hbm>>)
      } else {
      }
      %broadcast_in_dim3A_55 = arith.constant 0 : i32
      %broadcast_in_dim3A_56 = vector.broadcast %broadcast_in_dim3A_55 : i32 to vector<16xi32>
      %parallel_loop3A = arith.constant 0 : i32
      %parallel_loop3A_57 = arith.constant 256 : i32
      %parallel_loop3A_58 = arith.constant 1 : i32
      scf.for %parallel_loop3A_118 = %parallel_loop3A to %parallel_loop3A_57 step %parallel_loop3A_58  : i32 {
        %parallel_loop3A_119 = arith.constant 16 : i32
        %parallel_loop3A_120 = arith.muli %parallel_loop3A_118, %parallel_loop3A_119 : i32
        %parallel_loop3A_121 = arith.constant 0 : i32
        %parallel_loop3A_122 = arith.index_cast %parallel_loop3A_121 : i32 to index
        %parallel_loop3A_123 = arith.index_cast %parallel_loop3A_120 : i32 to index
        %parallel_loop3A_124 = tpu.vector_load %arg6[%parallel_loop3A_122, %parallel_loop3A_123] {strides = array<i32>} : memref<2x4096xi32, #tpu.memory_space<vmem>>, vector<16xi32>,
        tpu.vector_store %arg6[%parallel_loop3A_122, %parallel_loop3A_123], %broadcast_in_dim3A_3 {strides = array<i32>} : memref<2x4096xi32, #tpu.memory_space<vmem>>, vector<16xi32>,
        %parallel_loop3A_125 = arith.constant 1 : i32
        %parallel_loop3A_126 = arith.index_cast %parallel_loop3A_125 : i32 to index
        %parallel_loop3A_127 = arith.index_cast %parallel_loop3A_120 : i32 to index
        %parallel_loop3A_128 = tpu.vector_load %arg6[%parallel_loop3A_126, %parallel_loop3A_127] {strides = array<i32>} : memref<2x4096xi32, #tpu.memory_space<vmem>>, vector<16xi32>,
        tpu.vector_store %arg6[%parallel_loop3A_126, %parallel_loop3A_127], %broadcast_in_dim3A_3 {strides = array<i32>} : memref<2x4096xi32, #tpu.memory_space<vmem>>, vector<16xi32>,
      } {sc.loop_unroll_factor = 8 : i64, sc.parallel_access}
      %sub3A = arith.constant 1 : i32
      %sub3A_59 = vector.broadcast %sub3A : i32 to vector<16xi32>
      %sub3A_60 = arith.subi %broadcast_in_dim3A_56, %sub3A_59 : vector<16xi32>
      %parallel_loop3A_61 = arith.constant 0 : i32
      %parallel_loop3A_62 = arith.constant 256 : i32
      %parallel_loop3A_63 = arith.constant 1 : i32
      %parallel_loop3A_64:3 = scf.for %parallel_loop3A_118 = %parallel_loop3A_61 to %parallel_loop3A_62 step %parallel_loop3A_63 iter_args(%parallel_loop3A_119 = %sub3A_60, %parallel_loop3A_120 = %sub3A_60, %parallel_loop3A_121 = %iota3A) -> (vector<16xi32>, vector<16xi32>, vector<16xi32>)  : i32 {
        %parallel_loop3A_122 = arith.constant 16 : i32
        %parallel_loop3A_123 = arith.muli %parallel_loop3A_118, %parallel_loop3A_122 : i32
        %parallel_loop3A_124 = arith.constant 0 : i32
        %parallel_loop3A_125 = arith.index_cast %parallel_loop3A_124 : i32 to index
        %parallel_loop3A_126 = arith.index_cast %parallel_loop3A_123 : i32 to index
        %parallel_loop3A_127 = tpu.vector_load %arg4[%parallel_loop3A_125, %parallel_loop3A_126] {strides = array<i32>} : memref<2x4096xf32, #tpu.memory_space<vmem>>, vector<16xf32>,
        %parallel_loop3A_128 = arith.constant 5.000000e-01 : f32
        %parallel_loop3A_129 = vector.broadcast %parallel_loop3A_128 : f32 to vector<16xf32>
        %parallel_loop3A_130 = arith.cmpf oge, %parallel_loop3A_127, %parallel_loop3A_129 : vector<16xf32>
        %parallel_loop3A_131 = arith.extui %parallel_loop3A_130 : vector<16xi1> to vector<16xi32>
        %parallel_loop3A_132 = arith.constant true
        %parallel_loop3A_133 = vector.broadcast %parallel_loop3A_132 : i1 to vector<16xi1>
        %parallel_loop3A_134 = tpu.scan <sum>, %parallel_loop3A_131 masked %parallel_loop3A_133 : vector<16xi32>, vector<16xi1> -> vector<16xi32>
        %parallel_loop3A_135 = arith.constant 0 : i32
        %parallel_loop3A_136 = vector.broadcast %parallel_loop3A_135 : i32 to vector<16xi32>
        %parallel_loop3A_137 = arith.addi %parallel_loop3A_119, %parallel_loop3A_134 : vector<16xi32>
        tpu.vector_store_idx %arg6[%parallel_loop3A_136, %parallel_loop3A_137], %parallel_loop3A_121 masked %parallel_loop3A_130 : memref<2x4096xi32, #tpu.memory_space<vmem>>[vector<16xi32>, vector<16xi32>], vector<16xi32>, vector<16xi1>
        %parallel_loop3A_138 = tpu.all_reduce %parallel_loop3A_130 {dim = 0 : i64, kind = #tpu.reduction_kind<sum>} : vector<16xi1> -> vector<16xi32>
        %parallel_loop3A_139 = arith.addi %parallel_loop3A_119, %parallel_loop3A_138 : vector<16xi32>
        %parallel_loop3A_140 = arith.constant 1 : i32
        %parallel_loop3A_141 = arith.index_cast %parallel_loop3A_140 : i32 to index
        %parallel_loop3A_142 = arith.index_cast %parallel_loop3A_123 : i32 to index
        %parallel_loop3A_143 = tpu.vector_load %arg4[%parallel_loop3A_141, %parallel_loop3A_142] {strides = array<i32>} : memref<2x4096xf32, #tpu.memory_space<vmem>>, vector<16xf32>,
        %parallel_loop3A_144 = arith.constant 5.000000e-01 : f32
        %parallel_loop3A_145 = vector.broadcast %parallel_loop3A_144 : f32 to vector<16xf32>
        %parallel_loop3A_146 = arith.cmpf oge, %parallel_loop3A_143, %parallel_loop3A_145 : vector<16xf32>
        %parallel_loop3A_147 = arith.extui %parallel_loop3A_146 : vector<16xi1> to vector<16xi32>
        %parallel_loop3A_148 = arith.constant true
        %parallel_loop3A_149 = vector.broadcast %parallel_loop3A_148 : i1 to vector<16xi1>
        %parallel_loop3A_150 = tpu.scan <sum>, %parallel_loop3A_147 masked %parallel_loop3A_149 : vector<16xi32>, vector<16xi1> -> vector<16xi32>
        %parallel_loop3A_151 = arith.constant 1 : i32
        %parallel_loop3A_152 = vector.broadcast %parallel_loop3A_151 : i32 to vector<16xi32>
        %parallel_loop3A_153 = arith.addi %parallel_loop3A_120, %parallel_loop3A_150 : vector<16xi32>
        tpu.vector_store_idx %arg6[%parallel_loop3A_152, %parallel_loop3A_153], %parallel_loop3A_121 masked %parallel_loop3A_146 : memref<2x4096xi32, #tpu.memory_space<vmem>>[vector<16xi32>, vector<16xi32>], vector<16xi32>, vector<16xi1>
        %parallel_loop3A_154 = tpu.all_reduce %parallel_loop3A_146 {dim = 0 : i64, kind = #tpu.reduction_kind<sum>} : vector<16xi1> -> vector<16xi32>
        %parallel_loop3A_155 = arith.addi %parallel_loop3A_120, %parallel_loop3A_154 : vector<16xi32>
        %parallel_loop3A_156 = arith.constant 16 : i32
        %parallel_loop3A_157 = vector.broadcast %parallel_loop3A_156 : i32 to vector<16xi32>
        %parallel_loop3A_158 = arith.addi %parallel_loop3A_121, %parallel_loop3A_157 : vector<16xi32>
        scf.yield %parallel_loop3A_139, %parallel_loop3A_155, %parallel_loop3A_158 : vector<16xi32>, vector<16xi32>, vector<16xi32>
      } {sc.loop_unroll_factor = 8 : i64, sc.parallel_access}
      %mul3A_65 = arith.constant 2 : i32
      %mul3A_66 = arith.muli %add3A_35, %mul3A_65 : i32
      %add3A_67 = arith.addi %mul3A_2, %mul3A_66 : i32
      %dma_start3A_68 = arith.constant 0 : i32
      %dma_start3A_69 = tpu.memref_slice %arg3[%add3A_67, %dma_start3A_68] : memref<16384x4096xi32, #tpu.memory_space<hbm>> -> memref<2x4096xi32, #tpu.memory_space<hbm>>
      %dma_start3A_70 = arith.constant 0 : i32
      %dma_start3A_71 = tpu.memref_slice %arg3[%add3A_67, %dma_start3A_70] : memref<16384x4096xi32, #tpu.memory_space<hbm>> -> memref<2x4096xi32, #tpu.memory_space<hbm>>
      tpu.enqueue_dma source(%arg6 : memref<2x4096xi32, #tpu.memory_space<vmem>>) target(%dma_start3A_71 : memref<2x4096xi32, #tpu.memory_space<hbm>>) target_semaphore(%arg10 : memref<!tpu.dma_semaphore, #tpu.memory_space<semaphore_mem>>)
      %mul3A_72 = arith.constant 2 : i32
      %mul3A_73 = arith.muli %scan3A_31, %mul3A_72 : i32
      %add3A_74 = arith.constant 1 : i32
      %add3A_75 = arith.addi %mul3A_73, %add3A_74 : i32
      %mul3A_76 = arith.constant 2 : i32
      %mul3A_77 = arith.muli %add3A_75, %mul3A_76 : i32
      %add3A_78 = arith.addi %mul3A_2, %mul3A_77 : i32
      %dma_wait3A_79 = arith.constant 0 : i32
      %dma_wait3A_80 = tpu.memref_slice %arg2[%add3A_78, %dma_wait3A_79] : memref<16384x4096xf32, #tpu.memory_space<hbm>> -> memref<2x4096xf32, #tpu.memory_space<hbm>>
      %dma_wait3A_81 = arith.constant 0 : i32
      %dma_wait3A_82 = tpu.memref_slice %arg2[%add3A_78, %dma_wait3A_81] : memref<16384x4096xf32, #tpu.memory_space<hbm>> -> memref<2x4096xf32, #tpu.memory_space<hbm>>
      tpu.wait_dma2 semaphore(%arg9 : memref<!tpu.dma_semaphore, #tpu.memory_space<semaphore_mem>>) src(%dma_wait3A_82 : memref<2x4096xf32, #tpu.memory_space<hbm>>) dst(%arg5 : memref<2x4096xf32, #tpu.memory_space<vmem>>)
      %add3A_83 = arith.constant 1 : i32
      %add3A_84 = arith.addi %add3A_75, %add3A_83 : i32
      %min3A_85 = arith.constant 255 : i32
      %min3A_86 = arith.minsi %add3A_84, %min3A_85 : i32
      %mul3A_87 = arith.constant 2 : i32
      %mul3A_88 = arith.muli %min3A_86, %mul3A_87 : i32
      %add3A_89 = arith.addi %mul3A_2, %mul3A_88 : i32
      %dma_start3A_90 = arith.constant 0 : i32
      %dma_start3A_91 = tpu.memref_slice %arg2[%add3A_89, %dma_start3A_90] : memref<16384x4096xf32, #tpu.memory_space<hbm>> -> memref<2x4096xf32, #tpu.memory_space<hbm>>
      %dma_start3A_92 = arith.constant 0 : i32
      %dma_start3A_93 = tpu.memref_slice %arg2[%add3A_89, %dma_start3A_92] : memref<16384x4096xf32, #tpu.memory_space<hbm>> -> memref<2x4096xf32, #tpu.memory_space<hbm>>
      tpu.enqueue_dma source(%dma_start3A_93 : memref<2x4096xf32, #tpu.memory_space<hbm>>) target(%arg4 : memref<2x4096xf32, #tpu.memory_space<vmem>>) target_semaphore(%arg8 : memref<!tpu.dma_semaphore, #tpu.memory_space<semaphore_mem>>)
      %ge3A_94 = arith.constant 1 : i32
      %ge3A_95 = arith.cmpi sge, %scan3A_31, %ge3A_94 : i32
      %convert_element_type3A_96 = arith.extui %ge3A_95 : i1 to i32
      %cond3A_97 = arith.constant 0 : i32
      %cond3A_98 = arith.cmpi ne, %convert_element_type3A_96, %cond3A_97 : i32
      scf.if %cond3A_98 {
        %sub3A_118 = arith.constant 2 : i32
        %sub3A_119 = arith.subi %add3A_75, %sub3A_118 : i32
        %mul3A_120 = arith.constant 2 : i32
        %mul3A_121 = arith.muli %sub3A_119, %mul3A_120 : i32
        %add3A_122 = arith.addi %mul3A_2, %mul3A_121 : i32
        %dma_wait3A_123 = arith.constant 0 : i32
        %dma_wait3A_124 = tpu.memref_slice %arg3[%add3A_122, %dma_wait3A_123] : memref<16384x4096xi32, #tpu.memory_space<hbm>> -> memref<2x4096xi32, #tpu.memory_space<hbm>>
        %dma_wait3A_125 = arith.constant 0 : i32
        %dma_wait3A_126 = tpu.memref_slice %arg3[%add3A_122, %dma_wait3A_125] : memref<16384x4096xi32, #tpu.memory_space<hbm>> -> memref<2x4096xi32, #tpu.memory_space<hbm>>
        tpu.wait_dma2 semaphore(%arg11 : memref<!tpu.dma_semaphore, #tpu.memory_space<semaphore_mem>>) src(%arg7 : memref<2x4096xi32, #tpu.memory_space<vmem>>) dst(%dma_wait3A_126 : memref<2x4096xi32, #tpu.memory_space<hbm>>)
      } else {
      }
      %broadcast_in_dim3A_99 = arith.constant 0 : i32
      %broadcast_in_dim3A_100 = vector.broadcast %broadcast_in_dim3A_99 : i32 to vector<16xi32>
      %parallel_loop3A_101 = arith.constant 0 : i32
      %parallel_loop3A_102 = arith.constant 256 : i32
      %parallel_loop3A_103 = arith.constant 1 : i32
      scf.for %parallel_loop3A_118 = %parallel_loop3A_101 to %parallel_loop3A_102 step %parallel_loop3A_103  : i32 {
        %parallel_loop3A_119 = arith.constant 16 : i32
        %parallel_loop3A_120 = arith.muli %parallel_loop3A_118, %parallel_loop3A_119 : i32
        %parallel_loop3A_121 = arith.constant 0 : i32
        %parallel_loop3A_122 = arith.index_cast %parallel_loop3A_121 : i32 to index
        %parallel_loop3A_123 = arith.index_cast %parallel_loop3A_120 : i32 to index
        %parallel_loop3A_124 = tpu.vector_load %arg7[%parallel_loop3A_122, %parallel_loop3A_123] {strides = array<i32>} : memref<2x4096xi32, #tpu.memory_space<vmem>>, vector<16xi32>,
        tpu.vector_store %arg7[%parallel_loop3A_122, %parallel_loop3A_123], %broadcast_in_dim3A_3 {strides = array<i32>} : memref<2x4096xi32, #tpu.memory_space<vmem>>, vector<16xi32>,
        %parallel_loop3A_125 = arith.constant 1 : i32
        %parallel_loop3A_126 = arith.index_cast %parallel_loop3A_125 : i32 to index
        %parallel_loop3A_127 = arith.index_cast %parallel_loop3A_120 : i32 to index
        %parallel_loop3A_128 = tpu.vector_load %arg7[%parallel_loop3A_126, %parallel_loop3A_127] {strides = array<i32>} : memref<2x4096xi32, #tpu.memory_space<vmem>>, vector<16xi32>,
        tpu.vector_store %arg7[%parallel_loop3A_126, %parallel_loop3A_127], %broadcast_in_dim3A_3 {strides = array<i32>} : memref<2x4096xi32, #tpu.memory_space<vmem>>, vector<16xi32>,
      } {sc.loop_unroll_factor = 8 : i64, sc.parallel_access}
      %sub3A_104 = arith.constant 1 : i32
      %sub3A_105 = vector.broadcast %sub3A_104 : i32 to vector<16xi32>
      %sub3A_106 = arith.subi %broadcast_in_dim3A_100, %sub3A_105 : vector<16xi32>
      %parallel_loop3A_107 = arith.constant 0 : i32
      %parallel_loop3A_108 = arith.constant 256 : i32
      %parallel_loop3A_109 = arith.constant 1 : i32
      %parallel_loop3A_110:3 = scf.for %parallel_loop3A_118 = %parallel_loop3A_107 to %parallel_loop3A_108 step %parallel_loop3A_109 iter_args(%parallel_loop3A_119 = %sub3A_106, %parallel_loop3A_120 = %sub3A_106, %parallel_loop3A_121 = %iota3A) -> (vector<16xi32>, vector<16xi32>, vector<16xi32>)  : i32 {
        %parallel_loop3A_122 = arith.constant 16 : i32
        %parallel_loop3A_123 = arith.muli %parallel_loop3A_118, %parallel_loop3A_122 : i32
        %parallel_loop3A_124 = arith.constant 0 : i32
        %parallel_loop3A_125 = arith.index_cast %parallel_loop3A_124 : i32 to index
        %parallel_loop3A_126 = arith.index_cast %parallel_loop3A_123 : i32 to index
        %parallel_loop3A_127 = tpu.vector_load %arg5[%parallel_loop3A_125, %parallel_loop3A_126] {strides = array<i32>} : memref<2x4096xf32, #tpu.memory_space<vmem>>, vector<16xf32>,
        %parallel_loop3A_128 = arith.constant 5.000000e-01 : f32
        %parallel_loop3A_129 = vector.broadcast %parallel_loop3A_128 : f32 to vector<16xf32>
        %parallel_loop3A_130 = arith.cmpf oge, %parallel_loop3A_127, %parallel_loop3A_129 : vector<16xf32>
        %parallel_loop3A_131 = arith.extui %parallel_loop3A_130 : vector<16xi1> to vector<16xi32>
        %parallel_loop3A_132 = arith.constant true
        %parallel_loop3A_133 = vector.broadcast %parallel_loop3A_132 : i1 to vector<16xi1>
        %parallel_loop3A_134 = tpu.scan <sum>, %parallel_loop3A_131 masked %parallel_loop3A_133 : vector<16xi32>, vector<16xi1> -> vector<16xi32>
        %parallel_loop3A_135 = arith.constant 0 : i32
        %parallel_loop3A_136 = vector.broadcast %parallel_loop3A_135 : i32 to vector<16xi32>
        %parallel_loop3A_137 = arith.addi %parallel_loop3A_119, %parallel_loop3A_134 : vector<16xi32>
        tpu.vector_store_idx %arg7[%parallel_loop3A_136, %parallel_loop3A_137], %parallel_loop3A_121 masked %parallel_loop3A_130 : memref<2x4096xi32, #tpu.memory_space<vmem>>[vector<16xi32>, vector<16xi32>], vector<16xi32>, vector<16xi1>
        %parallel_loop3A_138 = tpu.all_reduce %parallel_loop3A_130 {dim = 0 : i64, kind = #tpu.reduction_kind<sum>} : vector<16xi1> -> vector<16xi32>
        %parallel_loop3A_139 = arith.addi %parallel_loop3A_119, %parallel_loop3A_138 : vector<16xi32>
        %parallel_loop3A_140 = arith.constant 1 : i32
        %parallel_loop3A_141 = arith.index_cast %parallel_loop3A_140 : i32 to index
        %parallel_loop3A_142 = arith.index_cast %parallel_loop3A_123 : i32 to index
        %parallel_loop3A_143 = tpu.vector_load %arg5[%parallel_loop3A_141, %parallel_loop3A_142] {strides = array<i32>} : memref<2x4096xf32, #tpu.memory_space<vmem>>, vector<16xf32>,
        %parallel_loop3A_144 = arith.constant 5.000000e-01 : f32
        %parallel_loop3A_145 = vector.broadcast %parallel_loop3A_144 : f32 to vector<16xf32>
        %parallel_loop3A_146 = arith.cmpf oge, %parallel_loop3A_143, %parallel_loop3A_145 : vector<16xf32>
        %parallel_loop3A_147 = arith.extui %parallel_loop3A_146 : vector<16xi1> to vector<16xi32>
        %parallel_loop3A_148 = arith.constant true
        %parallel_loop3A_149 = vector.broadcast %parallel_loop3A_148 : i1 to vector<16xi1>
        %parallel_loop3A_150 = tpu.scan <sum>, %parallel_loop3A_147 masked %parallel_loop3A_149 : vector<16xi32>, vector<16xi1> -> vector<16xi32>
        %parallel_loop3A_151 = arith.constant 1 : i32
        %parallel_loop3A_152 = vector.broadcast %parallel_loop3A_151 : i32 to vector<16xi32>
        %parallel_loop3A_153 = arith.addi %parallel_loop3A_120, %parallel_loop3A_150 : vector<16xi32>
        tpu.vector_store_idx %arg7[%parallel_loop3A_152, %parallel_loop3A_153], %parallel_loop3A_121 masked %parallel_loop3A_146 : memref<2x4096xi32, #tpu.memory_space<vmem>>[vector<16xi32>, vector<16xi32>], vector<16xi32>, vector<16xi1>
        %parallel_loop3A_154 = tpu.all_reduce %parallel_loop3A_146 {dim = 0 : i64, kind = #tpu.reduction_kind<sum>} : vector<16xi1> -> vector<16xi32>
        %parallel_loop3A_155 = arith.addi %parallel_loop3A_120, %parallel_loop3A_154 : vector<16xi32>
        %parallel_loop3A_156 = arith.constant 16 : i32
        %parallel_loop3A_157 = vector.broadcast %parallel_loop3A_156 : i32 to vector<16xi32>
        %parallel_loop3A_158 = arith.addi %parallel_loop3A_121, %parallel_loop3A_157 : vector<16xi32>
        scf.yield %parallel_loop3A_139, %parallel_loop3A_155, %parallel_loop3A_158 : vector<16xi32>, vector<16xi32>, vector<16xi32>
      } {sc.loop_unroll_factor = 8 : i64, sc.parallel_access}
      %mul3A_111 = arith.constant 2 : i32
      %mul3A_112 = arith.muli %add3A_75, %mul3A_111 : i32
      %add3A_113 = arith.addi %mul3A_2, %mul3A_112 : i32
      %dma_start3A_114 = arith.constant 0 : i32
      %dma_start3A_115 = tpu.memref_slice %arg3[%add3A_113, %dma_start3A_114] : memref<16384x4096xi32, #tpu.memory_space<hbm>> -> memref<2x4096xi32, #tpu.memory_space<hbm>>
      %dma_start3A_116 = arith.constant 0 : i32
      %dma_start3A_117 = tpu.memref_slice %arg3[%add3A_113, %dma_start3A_116] : memref<16384x4096xi32, #tpu.memory_space<hbm>> -> memref<2x4096xi32, #tpu.memory_space<hbm>>
      tpu.enqueue_dma source(%arg7 : memref<2x4096xi32, #tpu.memory_space<vmem>>) target(%dma_start3A_117 : memref<2x4096xi32, #tpu.memory_space<hbm>>) target_semaphore(%arg11 : memref<!tpu.dma_semaphore, #tpu.memory_space<semaphore_mem>>)
    }
    %scan3A_13 = arith.constant 128 : i32
    %add3A_14 = arith.constant 510 : i32
    %add3A_15 = arith.addi %mul3A_2, %add3A_14 : i32
    %dma_wait3A = arith.constant 0 : i32
    %dma_wait3A_16 = tpu.memref_slice %arg2[%add3A_15, %dma_wait3A] : memref<16384x4096xf32, #tpu.memory_space<hbm>> -> memref<2x4096xf32, #tpu.memory_space<hbm>>
    %dma_wait3A_17 = arith.constant 0 : i32
    %dma_wait3A_18 = tpu.memref_slice %arg2[%add3A_15, %dma_wait3A_17] : memref<16384x4096xf32, #tpu.memory_space<hbm>> -> memref<2x4096xf32, #tpu.memory_space<hbm>>
    tpu.wait_dma2 semaphore(%arg8 : memref<!tpu.dma_semaphore, #tpu.memory_space<semaphore_mem>>) src(%dma_wait3A_18 : memref<2x4096xf32, #tpu.memory_space<hbm>>) dst(%arg4 : memref<2x4096xf32, #tpu.memory_space<vmem>>)
    %add3A_19 = arith.constant 508 : i32
    %add3A_20 = arith.addi %mul3A_2, %add3A_19 : i32
    %dma_wait3A_21 = arith.constant 0 : i32
    %dma_wait3A_22 = tpu.memref_slice %arg3[%add3A_20, %dma_wait3A_21] : memref<16384x4096xi32, #tpu.memory_space<hbm>> -> memref<2x4096xi32, #tpu.memory_space<hbm>>
    %dma_wait3A_23 = arith.constant 0 : i32
    %dma_wait3A_24 = tpu.memref_slice %arg3[%add3A_20, %dma_wait3A_23] : memref<16384x4096xi32, #tpu.memory_space<hbm>> -> memref<2x4096xi32, #tpu.memory_space<hbm>>
    tpu.wait_dma2 semaphore(%arg10 : memref<!tpu.dma_semaphore, #tpu.memory_space<semaphore_mem>>) src(%arg6 : memref<2x4096xi32, #tpu.memory_space<vmem>>) dst(%dma_wait3A_24 : memref<2x4096xi32, #tpu.memory_space<hbm>>)
    %add3A_25 = arith.constant 510 : i32
    %add3A_26 = arith.addi %mul3A_2, %add3A_25 : i32
    %dma_wait3A_27 = arith.constant 0 : i32
    %dma_wait3A_28 = tpu.memref_slice %arg3[%add3A_26, %dma_wait3A_27] : memref<16384x4096xi32, #tpu.memory_space<hbm>> -> memref<2x4096xi32, #tpu.memory_space<hbm>>
    %dma_wait3A_29 = arith.constant 0 : i32
    %dma_wait3A_30 = tpu.memref_slice %arg3[%add3A_26, %dma_wait3A_29] : memref<16384x4096xi32, #tpu.memory_space<hbm>> -> memref<2x4096xi32, #tpu.memory_space<hbm>>
    tpu.wait_dma2 semaphore(%arg11 : memref<!tpu.dma_semaphore, #tpu.memory_space<semaphore_mem>>) src(%arg7 : memref<2x4096xi32, #tpu.memory_space<vmem>>) dst(%dma_wait3A_30 : memref<2x4096xi32, #tpu.memory_space<hbm>>)
    return
  }
}

</mosaic_0001>

<sc_bundles>
// kernel: kernel.3.cloned.1.call-start
scs
__scs_entry_jumppad:
0x0: {  	(pc) =	sbr.rel $0x88, $3  }
0x1: {  	(tag) =	ssettag $0x0;
	lr =	simm.s32 $0x1  }
0x2: {  	[smem:$0x3FA0] =	sst lr;
	_ =	strace $0xD0000000  }
0x3: {  	_ = 	snop  }
0x4: {  	_ = 	snop  }
0x5: {  	_ = 	snop  }
0x6: {  	_ = 	snop  }
0x7: {  	_ = 	snop  }
__scs_overlays_trampoline_lowered:
0x8: {  	[smem:$0x3FAF] =	sst s0  }
0x9: {  	[smem:$0x3FB0] =	sst s1  }
0xa: {  	[smem:$0x3FB1] =	sst s2  }
0xb: {  	[smem:$0x3FB2] =	sst s3  }
0xc: {  	[smem:$0x3FB3] =	sst s4  }
0xd: {  	[smem:$0x3FB4] =	sst s5  }
0xe: {  	[smem:$0x3FB5] =	sst s6  }
0xf: {  	[smem:$0x3FB6] =	sst s7  }
0x10: {  	[smem:$0x3FB7] =	sst s8  }
0x11: {  	[smem:$0x3FB8] =	sst s9;
	s0 =	simm.s32 @!p0 $0x0  }
0x12: {  	s1 =	sld [smem:$0x3F9E];
	s0 =	simm.s32 @p0 $0x1  }
0x13: {  	[smem:$0x3FB9] =	sst s0;
	s0 =	simm.s32 @!p1 $0x0  }
0x14: {  	s2 =	sld [smem:$0x3F9D];
	s0 =	simm.s32 @p1 $0x1  }
0x15: {  	[smem:$0x3FBA] =	sst s0;
	s0 =	simm.s32 @!p2 $0x0  }
0x16: {  	s3 =	sld [smem:$0x3FDB];
	s0 =	simm.s32 @p2 $0x1  }
0x17: {  	s4 =	simm.s32 $0x1BF5;
	[smem:$0x3FBC] =	sst s0  }
0x18: {  	s0 =	sld [smem:$0x3F9F];
	_ =	swait.ge [sflag:s4], $0x0  }
0x19: {  	s7 =	sld [smem:$0x3FA0]  }
0x1a: {  	s8 =	sadd.s32 $0xFFFFE003, lr  }
0x1b: {  	s9 =	sadd.s32 $0xFFFFFEF7, lr;
	s5 =	simm.s32 $0xFFFFFFFF;
	p2 =	slt.u32 s8, $0xFFFFF086  }
0x1c: {  	p1 =	slt.u32 s9, $0xF7A;
	s5 =	simm.s32 @!p2 $0x0  }
0x1d: {  	s5 =	simm.s32 @p1 $0x1;
	p0 =	seq.s32 s7, s2  }
0x1e: {  	s7 =	smul.u32 @!p0 $0xF7A, s2;
	p2 =	seq.s32 @!p0 s5, $0x0  }
0x1f: {  	s9 =	smul.u32 $0xF7A, s1;
	s8 =	simm.s32 @!p0 $0x1BF5;
	p2 =	por !p2, p0  }
0x20: {  	[sflag:s8] =	ssyncset.s32 @!p0 $0xFFFFF086;
	s6 =	sadd.s32 @!p0 s3, s7;
	s7 =	simm.s32 @!p0 $0x108  }
0x21: {  	s3 =	sadd.s32 s3, s9;
	s6 =	sadd.s32 @!p0 $0x88, s6;
	s7 =	simm.s32 @p2 $0x1082  }
0x22: {  	[simem:s7], [sflag:s8] =	dma.local @!p0 [hbm:s6], $0xF7A  }
0x23: {  	s9 =	sor.u32 $0xD0000000, s2;
	s6 =	simm.s32 $0x108;
	_ =	swait.ge @!p0 [sflag:s8], $0x0  }
0x24: {  	s3 =	sadd.s32 $0x88, s3;
	s6 =	simm.s32 @!p1 $0x1082;
	[sflag:s4] =	ssyncset.s32 $0xFFFFF086  }
0x25: {  	[simem:s6], [sflag:s4] =	dma.local [hbm:s3], $0xF7A  }
0x26: {  	[smem:$0x3FA0] =	sst s1;
	(tag) =	ssettag s2;
	_ =	strace s9  }
0x27: {  	s1 =	sld [smem:$0x3FB0]  }
0x28: {  	s2 =	sld [smem:$0x3FB1]  }
0x29: {  	s4 =	sld [smem:$0x3FB3]  }
0x2a: {  	p0 =	seq.s32 s5, $0x0;
	s5 =	sld [smem:$0x3FB4]  }
0x2b: {  	s6 =	sld [smem:$0x3FB5]  }
0x2c: {  	s7 =	sld [smem:$0x3FB6]  }
0x2d: {  	s3 =	simm.s32 $0x108;
	s8 =	sld [smem:$0x3FB7]  }
0x2e: {  	s3 =	simm.s32 @!p0 $0x1082;
	s9 =	sld [smem:$0x3FB8]  }
0x2f: {  	lr =	sadd.s32 s0, s3;
	s0 =	sld [smem:$0x3FAF]  }
0x30: {  	s3 =	sld [smem:$0x3FB2]  }
0x31: {  	[smem:$0x3FBB] =	sst s10  }
0x32: {  	s10 =	sld [smem:$0x3FB9];
	_ =	sdelay $0x3  }
0x33: {  	p0 =	seq.s32 s10, $0x1;
	s10 =	sld [smem:$0x3FBB];
	_ =	sdelay $0x3  }
0x34: {  	[smem:$0x3FBB] =	sst s10  }
0x35: {  	s10 =	sld [smem:$0x3FBA];
	_ =	sdelay $0x3  }
0x36: {  	p1 =	seq.s32 s10, $0x1;
	s10 =	sld [smem:$0x3FBB];
	_ =	sdelay $0x3  }
0x37: {  	[smem:$0x3FBB] =	sst s10  }
0x38: {  	s10 =	sld [smem:$0x3FBC]  }
0x39: {  	_ = 	snop;
	(pc) =	sbr.ind lr, $3  }
0x3a: {  	_ = 	snop  }
0x3b: {  	_ = 	snop  }
0x3c: {  	p2 =	seq.s32 s10, $0x1;
	s10 =	sld [smem:$0x3FBB]  }
0x3d: {  	_ =	shalt  }
0x3e: {  	_ =	shalt  }
0x3f: {  	_ =	shalt  }
0x40: {  	_ =	shalt  }
0x41: {  	_ =	shalt  }
0x42: {  	_ =	shalt  }
0x43: {  	_ =	shalt  }
0x44: {  	_ =	shalt  }
0x45: {  	_ =	shalt  }
0x46: {  	_ =	shalt  }
0x47: {  	_ =	shalt  }
0x48: {  	_ =	shalt  }
0x49: {  	_ =	shalt  }
0x4a: {  	_ =	shalt  }
0x4b: {  	_ =	shalt  }
0x4c: {  	_ =	shalt  }
0x4d: {  	_ =	shalt  }
0x4e: {  	_ =	shalt  }
0x4f: {  	_ =	shalt  }
0x50: {  	_ =	shalt  }
0x51: {  	_ =	shalt  }
0x52: {  	_ =	shalt  }
0x53: {  	_ =	shalt  }
0x54: {  	_ =	shalt  }
0x55: {  	_ =	shalt  }
0x56: {  	_ =	shalt  }
0x57: {  	_ =	shalt  }
0x58: {  	_ =	shalt  }
0x59: {  	_ =	shalt  }
0x5a: {  	_ =	shalt  }
0x5b: {  	_ =	shalt  }
0x5c: {  	_ =	shalt  }
0x5d: {  	_ =	shalt  }
0x5e: {  	_ =	shalt  }
0x5f: {  	_ =	shalt  }
0x60: {  	_ =	shalt  }
0x61: {  	_ =	shalt  }
0x62: {  	_ =	shalt  }
0x63: {  	_ =	shalt  }
0x64: {  	_ =	shalt  }
0x65: {  	_ =	shalt  }
0x66: {  	_ =	shalt  }
0x67: {  	_ =	shalt  }
0x68: {  	_ =	shalt  }
0x69: {  	_ =	shalt  }
0x6a: {  	_ =	shalt  }
0x6b: {  	_ =	shalt  }
0x6c: {  	_ =	shalt  }
0x6d: {  	_ =	shalt  }
0x6e: {  	_ =	shalt  }
0x6f: {  	_ =	shalt  }
0x70: {  	_ =	shalt  }
0x71: {  	_ =	shalt  }
0x72: {  	_ =	shalt  }
0x73: {  	_ =	shalt  }
0x74: {  	_ =	shalt  }
0x75: {  	_ =	shalt  }
0x76: {  	_ =	shalt  }
0x77: {  	_ =	shalt  }
0x78: {  	_ =	shalt  }
0x79: {  	_ =	shalt  }
0x7a: {  	_ =	shalt  }
0x7b: {  	_ =	shalt  }
0x7c: {  	_ =	shalt  }
0x7d: {  	_ =	shalt  }
0x7e: {  	_ =	shalt  }
0x7f: {  	_ =	shalt  }
0x80: {  	_ =	shalt  }
0x81: {  	_ =	shalt  }
0x82: {  	_ =	shalt  }
0x83: {  	_ =	shalt  }
0x84: {  	_ =	shalt  }
0x85: {  	_ =	shalt  }
0x86: {  	_ =	shalt  }
0x87: {  	_ =	shalt  }
.Lfunc_end0:
.L_simem_size_0:
called_computation_lowered:
.L_overlay_start_0:
0x88: {  	s2 =	sld [smem:$0x3FD9]  }
0x89: {  	s3 =	sld [smem:$0x3FFE];
	_ =	sdelay $0x1  }
0x8a: {  	s1 =	srdreg.scid  }
0x8b: {  	s0 =	sand.u32 $0x1, s1  }
0x8c: {  	s18 =	sshll.u32 s0, $0xA;
	s2 =	sadd.s32 s3, s2  }
0x8d: {  	s2 =	sadd.s32 s2, s18  }
0x8e: {  	[smem:$0x3FC7] =	sst s2  }
0x8f: {  	_ = 	snop  }
0x90: {  	s2 =	sld [smem:$0x3FC9]  }
0x91: {  	s19 =	sld [smem:$0x3FD0];
	(tm) =	ssettm $0x1  }
0x92: {  	s4 =	sld [smem:$0x3FFB];
	_ =	sdelay $0x3  }
0x93: {  	_ =	strace s4  }
0x94: {  	s4 =	sld [smem:$0x3FFC];
	_ =	sdelay $0x3  }
0x95: {  	_ =	strace s4  }
0x96: {  	s4 =	sld [smem:$0x3FFD];
	_ =	sdelay $0x3  }
0x97: {  	_ =	strace s4  }
0x98: {  	_ =	strace $0x8FFFFFFF  }
0x99: {  	s20 =	sld [smem:$0x3FDB];
	_ =	sdelay $0x1  }
0x9a: {  	s5 =	simm.s32 $_scs_section_size  }
0x9b: {  	s6 =	simm.s32 $_size__tile_overlayer_lowered;
	s7 =	simm.s32 $_tile_overlayer_lowered  }
0x9c: {  	s23 =	simm.s32 $0x1BFF;
	s22 =	sshll.u32 s7, $0x1;
	s4 =	sadd.s32 s5, s20  }
0x9d: {  	s8 =	simm.s32 $0x0;
	s21 =	sshll.u32 s6, $0x1;
	s6 =	sadd.s32 s22, s4  }
0x9e: {  	[timem:s8], [sflag:s23] =	dma.local [hbm:s6], s21  }
0x9f: {  	_ =	swait.ge [sflag:s23], s21  }
0xa0: {  	s5 =	ssub.s32 $0x0, s21;
	[sflag:s23] =	ssyncset.done $0x0  }
0xa1: {  	[sflag:s23] =	ssyncadd.s32 s5;
	_ =	sdelay $0x1  }
0xa2: {  	s24 =	simm.s32 $0x1B8B  }
0xa3: {  	_ =	swait.ge [sflag:s24], $0x1  }
0xa4: {  	[sflag:s24] =	ssyncset.done $0x0  }
0xa5: {  	s25 =	simm.s32 $0x1B8E;
	[sflag:s24] =	ssyncadd.s32 $0xFFFFFFFF  }
0xa6: {  	s26 =	simm.s32 $execute0_lowered;
	[smem:$0x3FD2] =	sst s25  }
0xa7: {  	s5 =	sshll.u32 s26, $0x1;
	_ =	strace $0x80000046;
	[dreg:$0x1] =	wrdreg $0xFFFFFFFF  }
0xa8: {  	s28 =	simm.s32 $_size_execute0_lowered;
	s4 =	sadd.s32 s4, s5;
	[dreg:$0x0] =	wrdreg $0x0  }
0xa9: {  	s5 =	sshll.u32 s28, $0x1;
	[dreg:$0x2] =	wrdreg s4  }
0xaa: {  	[dreg:$0x3] =	wrdreg s5  }
0xab: {  	[dreg:$0x4] =	wrdreg $0xC0  }
0xac: {  	_ =	task [dreg:s8], $0x5FFFF  }
0xad: {  	[dreg:$0x1] =	wrdreg $0xFFFFFFFF  }
0xae: {  	[dreg:$0x0] =	wrdreg $0x60  }
0xaf: {  	[dreg:$0x2] =	wrdreg s2  }
0xb0: {  	[dreg:$0x3] =	wrdreg s19  }
0xb1: {  	[dreg:$0x4] =	wrdreg $0x9  }
0xb2: {  	_ =	task.clear_ibuf [dreg:s8], $0x5FFFF;
	_ =	strace $0x90000046  }
0xb3: {  	s29 =	simm.s32 $0x9;
	_ =	strace $0x80000048  }
0xb4: {  	_ =	swait.ge [sflag:s29], $0x1  }
0xb5: {  	[sflag:s29] =	ssyncadd.s32 $0xFFFFFFFF  }
0xb6: {  	_ =	strace $0x90000048  }
0xb7: {  	_ =	sfence  }
0xb8: {  	s30 =	sld [smem:$0x0];
	_ =	sdelay $0x2  }
0xb9: {  	s31 =	sshll.u32 s1, $0xD;
	s1 =	sshrl.u32 s1, $0x2  }
0xba: {  	s3 =	sand.u32 $0x4000, s31;
	s1 =	sadd.s32 s1, s30  }
0xbb: {  	s0 =	sor.u32 s3, s0;
	s1 =	sshll.u32 s1, $0x11  }
0xbc: {  	s0 =	sor.u32 s1, s0  }
0xbd: {  	s0 =	sadd.s32 $0x8F2B, s0  }
0xbe: {  	[sflag:s0] =	ssyncadd.remote.s32 $0x1  }
0xbf: {  	_ =	sfence.sel $0xFFFF  }
0xc0: {  	[dreg:$0x0] =	wrdreg $0xFFFFFFFF;
	(pc) =	sbr.abs _section_cstart, $3  }
0xc1: {  	[dreg:$0x1] =	wrdreg $0xFFFFFFFF  }
0xc2: {  	_ =	task.clear_ibuf [dreg:s8], $0x2FFFF;
	_ =	strace $0x9FFFFFFF  }
0xc3: {  	(tm) =	ssettm $0x7FFFFFFF  }
tec
execute0_lowered:
.L_overlay_start_1:
0x0: {  	(tag) =	ssettag $0x1  }
0x1: {  	s1 =	rddreg [dreg:$0x0]  }
0x2: {  	s2 =	rddreg [dreg:$0x1];
	s3 =	srdreg.scid  }
0x3: {  	s0 =	rddreg [dreg:$0x2];
	s4 =	simm.s32 $0x0;
	s9 =	simm.s32 $0x400  }
0x4: {  	s10 =	simm.s32 $0x1;
	s11 =	simm.s32 $0x2000;
	s12 =	simm.s32 $0x4000  }
0x5: {  	s13 =	simm.s32 $0x2;
	s14 =	simm.s32 $0x6000;
	s15 =	simm.s32 $0x3  }
0x6: {  	s16 =	simm.s32 $0x4;
	s17 =	simm.s32 $0x0;
	s5 =	sand.u32 $0x1, s3  }
0x7: {  	[smem:$0x7FF] =	sst s4;
	s3 =	stileid.u32;
	s6 =	ssub.s32 $0x2, s5  }
0x8: {  	s8 =	sshll.u32 s3, $0x13;
	s5 =	sshll.u32 s5, $0x12;
	s7 =	sshrl.u32 s6, $0x1  }
0x9: {  	_ =	strace $0x80000047;
	s5 =	sor.u32 s5, s8;
	s7 =	ssub.s32 s6, s7  }
0xa: {  	v0 =	vimm.s32 $0x0;
	s8 =	simm.s32 $0x100;
	s6 =	sadd.s32 s1, s5;
	s7 =	smax.u32 s7, $0x1  }
.LBB2_1:
0xb: {  	[tilespmem:s4], [sflag:$0x1] =	stream.strided.gather [hbm4b:s6+s8], $0x2000, s9, s8, $0x38;
	[tilespmem:$0x8000] =	vst v63  }
0xc: {  	s18 =	simm.s32 $0x0  }
.LBB2_2:
0xd: {  	s19 =	sshll.u32 s18, $0xB  }
0xe: {  	s21 =	sshll.u32 s18, $0x6;
	s19 =	sand.u32 $0x3F000, s19  }
0xf: {  	s21 =	sand.u32 $0x40, s21;
	s20 =	sor.u32 s5, s19  }
0x10: {  	_ =	swait.ge [sflag:s10], $0x2000;
	s19 =	sor.u32 s20, s21  }
0x11: {  	[sflag:s10] =	ssyncset.done $0x0;
	s19 =	sor.u32 $0x20, s19  }
0x12: {  	p0 =	seq.s32 s18, $0x0;
	[sflag:s10] =	ssyncadd.s32 $0xFFFFE000;
	s22 =	sadd.s32 s1, s19  }
0x13: {  	[tilespmem:s11], [sflag:$0x2] =	stream.strided.gather [hbm4b:s22+s8], $0x2000, s9, s8, $0x38;
	[tilespmem:$0x8000] =	vst v63  }
0x14: {  	s22 =	simm.s32 @!p0 $0x3  }
0x15: {  	_ =	swait.ge @!p0 [sflag:s22], $0x2000  }
0x16: {  	[sflag:s22] =	ssyncset.done @!p0 $0x0  }
0x17: {  	s24 =	simm.s32 $0x4080;
	v10 =	vimm.s32 $0xFFFFFFFF;
	[sflag:s22] =	ssyncadd.s32 @!p0 $0xFFFFE000  }
0x18: {  	[tilespmem:s24+$0x70] =	vst v10  }
0x19: {  	[tilespmem:s24+$0xFFFFFF80] =	vst v10  }
0x1a: {  	[tilespmem:s24+$0x0] =	vst v10  }
0x1b: {  	[tilespmem:s24+$0xFFFFFF90] =	vst v10  }
0x1c: {  	[tilespmem:s24+$0x10] =	vst v10  }
0x1d: {  	[tilespmem:s24+$0xFFFFFFA0] =	vst v10  }
0x1e: {  	[tilespmem:s24+$0x20] =	vst v10  }
0x1f: {  	[tilespmem:s24+$0xFFFFFFB0] =	vst v10  }
0x20: {  	[tilespmem:s24+$0x30] =	vst v10  }
0x21: {  	[tilespmem:s24+$0xFFFFFFC0] =	vst v10  }
0x22: {  	[tilespmem:s24+$0x40] =	vst v10  }
0x23: {  	[tilespmem:s24+$0xFFFFFFD0] =	vst v10  }
0x24: {  	[tilespmem:s24+$0x50] =	vst v10  }
0x25: {  	[tilespmem:s24+$0xFFFFFFE0] =	vst v10  }
0x26: {  	s25 =	simm.s32 $0x0;
	v1 =	vlaneseq.u32;
	s23 =	simm.s32 $0x80;
	s22 =	sshll.u32 s18, $0x1;
	[tilespmem:s24+$0x60] =	vst v10  }
.LBB2_3:
0x27: {  	s25 =	sadd.s32 $0x8, s25;
	[tilespmem:s24+$0xFFFFFFF0] =	vst v10;
	s24 =	sadd.s32 $0x100, s24  }
0x28: {  	[tilespmem:s24+$0x70] =	vst v10;
	p1 =	slt.u32 s25, $0xF8  }
0x29: {  	[tilespmem:s24+$0xFFFFFF80] =	vst v10  }
0x2a: {  	[tilespmem:s24+$0x0] =	vst v10  }
0x2b: {  	[tilespmem:s24+$0xFFFFFF90] =	vst v10  }
0x2c: {  	[tilespmem:s24+$0x10] =	vst v10  }
0x2d: {  	[tilespmem:s24+$0xFFFFFFA0] =	vst v10  }
0x2e: {  	[tilespmem:s24+$0x20] =	vst v10  }
0x2f: {  	[tilespmem:s24+$0xFFFFFFB0] =	vst v10  }
0x30: {  	[tilespmem:s24+$0x30] =	vst v10  }
0x31: {  	[tilespmem:s24+$0xFFFFFFC0] =	vst v10  }
.Ltmp0:
0x32: {  	[tilespmem:s24+$0x40] =	vst v10;
	(pc) =	sbr.rel @p1 .LBB2_3-.Ltmp0, $4  }
0x33: {  	[tilespmem:s24+$0xFFFFFFD0] =	vst v10  }
0x34: {  	[tilespmem:s24+$0x50] =	vst v10  }
0x35: {  	[tilespmem:s24+$0xFFFFFFE0] =	vst v10  }
0x36: {  	[tilespmem:s24+$0x60] =	vst v10  }
0x37: {  	[tilespmem:s24+$0xFFFFFFF0] =	vst v10  }
0x38: {  	v2 =	vld [tilespmem:s23+$0xFFFFFF90]  }
0x39: {  	v3 =	vld [tilespmem:s23+$0xFFFFFFA0]  }
0x3a: {  	v4 =	vld [tilespmem:s23+$0xFFFFFFB0]  }
0x3b: {  	v5 =	vld [tilespmem:s23+$0xFFFFFF80]  }
0x3c: {  	v6 =	vld [tilespmem:s23+$0xFFFFFFF0]  }
0x3d: {  	v7 =	vld [tilespmem:s23+$0xFFFFFFE0];
	vm6 =	vge.f32 v2, $5.000000000e-01  }
0x3e: {  	v8 =	vld [tilespmem:s23+$0xFFFFFFD0];
	vm4 =	vge.f32 v3, $5.000000000e-01;
	v2 =	vsel vm6, $0x1, v0  }
0x3f: {  	vm3 =	vge.f32 v4, $5.000000000e-01;
	v4 =	vld [tilespmem:s23+$0xFFFFFFC0];
	(xrf0) =	vadd.scan.msk.s32 $0xffff, v2;
	v2 =	vsel vm4, $0x1, v0  }
0x40: {  	vm7 =	vge.f32 v5, $5.000000000e-01;
	v3 =	vsel vm3, $0x1, v0;
	(xrf0) =	vadd.scan.msk.s32 $0xffff, v2  }
0x41: {  	vm0 =	vge.f32 v6, $5.000000000e-01;
	v5 =	vsel vm7, $0x1, v0;
	v6 =	vmpcnt.ones.xlane vm7;
	(xrf0) =	vadd.scan.msk.s32 $0xffff, v3  }
0x42: {  	vm2 =	vge.f32 v7, $5.000000000e-01;
	(xrf0) =	vadd.scan.msk.s32 $0xffff, v5  }
0x43: {  	vm1 =	vge.f32 v8, $5.000000000e-01;
	v7 =	vsel vm0, $0x1, v0;
	v8 =	vmpcnt.ones.xlane vm4  }
0x44: {  	v9 =	vmpcnt.ones.xlane vm3;
	v5 =	vmpcnt.ones.xlane vm6;
	vm5 =	vge.f32 v4, $5.000000000e-01  }
0x45: {  	v13 =	vsel vm2, $0x1, v0;
	v4 =	vadd.s32 v10, v6;
	v11 =	vsel vm5, $0x1, v0;
	v6, _, _ =	vpop (xrf0)  }
0x46: {  	v2 =	vadd.s32 $0x20, v1;
	v5 =	vadd.s32 v4, v5;
	(xrf0) =	vadd.scan.msk.s32 $0xffff, v11;
	v12, _, _ =	vpop (xrf0);
	v4 =	vadd.s32 v4, v6  }
0x47: {  	v11 =	vsel vm1, $0x1, v0;
	v6 =	vadd.s32 v5, v8;
	(xrf0) =	vadd.scan.msk.s32 $0xffff, v7;
	v8, _, _ =	vpop (xrf0);
	v7 =	vshll.u32 v4, $0x1  }
0x48: {  	v9 =	vadd.s32 v6, v9;
	v4 =	vand.u32 $0x7F, v4;
	v5 =	vadd.s32 v5, v12;
	v14, _, _ =	vpop (xrf0)  }
0x49: {  	(xrf0) =	vadd.scan.msk.s32 $0xffff, v11;
	v7 =	vand.u32 $0xFFFFFF00, v7;
	v6 =	vadd.s32 v6, v8;
	v11 =	vadd.s32 v10, v14  }
0x4a: {  	(xrf0) =	vadd.scan.msk.s32 $0xffff, v13;
	v12 =	vshll.u32 v5, $0x1;
	v13 =	vmpcnt.ones.xlane vm5;
	v8 =	vand.u32 $0x7F, v11  }
0x4b: {  	v5 =	vand.u32 $0x7F, v5;
	v4 =	vor.u32 v4, v7;
	v7 =	vshll.u32 v11, $0x1  }
0x4c: {  	v14 =	vmpcnt.ones.xlane vm1;
	v15 =	vshll.u32 v6, $0x1;
	v7 =	vand.u32 $0xFFFFFF00, v7  }
0x4d: {  	v12 =	vand.u32 $0xFFFFFF00, v12;
	v6 =	vand.u32 $0x7F, v6;
	v7 =	vor.u32 v8, v7;
	v8, _, _ =	vpop (xrf0)  }
0x4e: {  	v11 =	vmpcnt.ones.xlane vm2;
	v15 =	vand.u32 $0xFFFFFF00, v15;
	v13 =	vadd.s32 v9, v13;
	v16, _, _ =	vpop (xrf0)  }
0x4f: {  	v5 =	vor.u32 v5, v12;
	v8 =	vadd.s32 v9, v8;
	v9 =	vadd.s32 v13, v14;
	v17, _, _ =	vpop (xrf0)  }
0x50: {  	v3 =	vadd.s32 $0x10, v1;
	v6 =	vor.u32 v6, v15;
	v11 =	vadd.s32 v9, v11;
	v12, _, _ =	vpop (xrf0)  }
0x51: {  	[tilespmem:v4+s12+$0x0] =	vst.idx.msk vm6, v3;
	v9 =	vadd.s32 v9, v12;
	v12 =	vshll.u32 v8, $0x1;
	v8 =	vand.u32 $0x7F, v8  }
0x52: {  	v14 =	vld [tilespmem:s23+$0x10];
	v4 =	vshll.u32 v9, $0x1;
	v12 =	vand.u32 $0xFFFFFF00, v12;
	v9 =	vand.u32 $0x7F, v9  }
0x53: {  	[tilespmem:v7+s12+$0x0] =	vst.idx.msk vm7, v1;
	v7 =	vand.u32 $0xFFFFFF00, v4;
	v8 =	vor.u32 v8, v12;
	v12 =	vadd.s32 v11, v16  }
0x54: {  	[tilespmem:v5+s12+$0x0] =	vst.idx.msk vm4, v2;
	v15 =	vld [tilespmem:s23+$0x0];
	v4 =	vadd.s32 $0x30, v1;
	v9 =	vor.u32 v9, v7;
	v16 =	vshll.u32 v12, $0x1  }
0x55: {  	v7 =	vadd.s32 v13, v17;
	v13 =	vld [tilespmem:s23+$0x20];
	v12 =	vand.u32 $0x7F, v12;
	[tilespmem:v6+s12+$0x0] =	vst.idx.msk vm3, v4;
	v6 =	vand.u32 $0xFFFFFF00, v16  }
0x56: {  	v5 =	vadd.s32 $0x40, v1;
	v17 =	vshll.u32 v7, $0x1;
	v12 =	vor.u32 v12, v6  }
0x57: {  	vm4 =	vge.f32 v14, $5.000000000e-01;
	v16 =	vld [tilespmem:s23+$0x30];
	v7 =	vand.u32 $0x7F, v7;
	v17 =	vand.u32 $0xFFFFFF00, v17  }
0x58: {  	v6 =	vadd.s32 $0x60, v1;
	v14 =	vor.u32 v7, v17;
	v7 =	vadd.s32 $0x70, v1;
	[tilespmem:v8+s12+$0x0] =	vst.idx.msk vm5, v5  }
0x59: {  	v17 =	vsel vm4, $0x1, v0;
	vm6 =	vge.f32 v15, $5.000000000e-01;
	v15 =	vmpcnt.ones.xlane vm0;
	v18 =	vld [tilespmem:s23+$0x40];
	[tilespmem:v9+s12+$0x0] =	vst.idx.msk vm2, v6  }
0x5a: {  	v8 =	vadd.s32 $0x50, v1;
	(xrf0) =	vadd.scan.msk.s32 $0xffff, v17;
	vm2 =	vge.f32 v13, $5.000000000e-01;
	v9 =	vsel vm6, $0x1, v0;
	v17 =	vld [tilespmem:s23+$0x60]  }
0x5b: {  	v13 =	vmpcnt.ones.xlane vm6;
	(xrf0) =	vadd.scan.msk.s32 $0xffff, v9;
	[tilespmem:v12+s12+$0x0] =	vst.idx.msk vm0, v7;
	vm0 =	vmmov vm2  }
0x5c: {  	vm5 =	vge.f32 v16, $5.000000000e-01;
	v9 =	vmpcnt.ones.xlane vm4;
	v16 =	vmpcnt.ones.xlane vm0  }
0x5d: {  	v19 =	vsel vm2, $0x1, v0;
	v12 =	vsel vm5, $0x1, v0;
	v13 =	vadd.s32 v10, v13;
	[tilespmem:v14+s12+$0x0] =	vst.idx.msk vm1, v8;
	v20 =	vld [tilespmem:s23+$0x70]  }
0x5e: {  	v14 =	vadd.s32 v11, v15;
	(xrf0) =	vadd.scan.msk.s32 $0xffff, v12;
	v15 =	vadd.s32 v13, v9;
	v9 =	vmpcnt.ones.xlane vm5;
	v11 =	vld [tilespmem:s23+$0x50]  }
0x5f: {  	(xrf0) =	vadd.scan.msk.s32 $0xffff, v19;
	vm7 =	vge.f32 v18, $5.000000000e-01;
	vm1 =	vge.f32 v17, $5.000000000e-01;
	v17 =	vadd.s32 v15, v16  }
0x60: {  	v19 =	vmpcnt.ones.xlane vm7;
	v21 =	vsel vm7, $0x1, v0;
	v16, _, _ =	vpop (xrf0);
	v22 =	vsel vm1, $0x1, v0  }
0x61: {  	v18 =	vadd.s32 v17, v9;
	v12 =	vmpcnt.ones.xlane vm1;
	v9 =	vadd.s32 $0x80, v1;
	v23, _, _ =	vpop (xrf0);
	(xrf0) =	vadd.scan.msk.s32 $0xffff, v21  }
0x62: {  	vm3 =	vge.f32 v20, $5.000000000e-01;
	v23 =	vadd.s32 v10, v23;
	v10 =	vadd.s32 v18, v19  }
0x63: {  	vm2 =	vge.f32 v11, $5.000000000e-01;
	v21 =	vsel vm3, $0x1, v0;
	(xrf0) =	vadd.scan.msk.s32 $0xffff, v22;
	v19 =	vshll.u32 v23, $0x1  }
0x64: {  	v24, _, _ =	vpop (xrf0);
	v22 =	vand.u32 $0x7F, v23;
	v20 =	vmpcnt.ones.xlane vm2;
	(xrf0) =	vadd.scan.msk.s32 $0xffff, v21;
	v19 =	vand.u32 $0xFFFFFF00, v19  }
0x65: {  	s24 =	simm.s32 $0x180;
	s23 =	simm.s32 $0x0;
	v11, _, _ =	vpop (xrf0);
	v21 =	vor.u32 v19, v22;
	v22 =	vadd.s32 v17, v24;
	v17 =	vsel vm2, $0x1, v0  }
.LBB2_5:
0x66: {  	v23 =	vld [tilespmem:s24+$0xFFFFFF90];
	s23 =	sadd.s32 $0x8, s23;
	v24 =	vadd.s32 v13, v16;
	v19 =	vadd.s32 v15, v11;
	v13 =	vmpcnt.ones.xlane vm3  }
0x67: {  	v25 =	vadd.s32 $0x10, v9;
	v11 =	vadd.s32 $0x70, v9;
	v27 =	vand.u32 $0x7F, v22;
	v26 =	vld [tilespmem:s24+$0xFFFFFFF0];
	p1 =	slt.u32 s23, $0xF8;
	v15, _, _ =	vpop (xrf0)  }
0x68: {  	v30 =	vshll.u32 v22, $0x1;
	v29 =	vshll.u32 v24, $0x1;
	v28 =	vld [tilespmem:s24+$0xFFFFFFA0];
	v15 =	vadd.s32 v18, v15  }
0x69: {  	v16 =	vadd.s32 $0x20, v9;
	v29 =	vand.u32 $0xFFFFFF00, v29;
	v18 =	vadd.s32 v10, v20;
	v31 =	vld [tilespmem:s24+$0xFFFFFFB0];
	v20, _, _ =	vpop (xrf0)  }
0x6a: {  	v33 =	vand.u32 $0x7F, v15;
	v34 =	vshll.u32 v15, $0x1;
	v15 =	vadd.s32 v18, v12;
	v32 =	vld [tilespmem:s24+$0xFFFFFFE0];
	v35, _, _ =	vpop (xrf0)  }
0x6b: {  	v12 =	vadd.s32 $0x50, v9;
	v22 =	vadd.s32 v18, v20;
	vm14 =	vge.f32 v23, $5.000000000e-01;
	v23 =	vld [tilespmem:s24+$0xFFFFFFD0]  }
0x6c: {  	v24 =	vand.u32 $0x7F, v24;
	v18 =	vand.u32 $0xFFFFFF00, v34;
	v20 =	vld [tilespmem:s24+$0xFFFFFF80];
	v36 =	vmpcnt.ones.xlane vm14  }
0x6d: {  	v30 =	vand.u32 $0xFFFFFF00, v30;
	v33 =	vor.u32 v18, v33;
	vm12 =	vge.f32 v28, $5.000000000e-01;
	v28 =	vld [tilespmem:s24+$0xFFFFFFC0]  }
0x6e: {  	v18 =	vsel vm14, $0x1, v0;
	vm8 =	vge.f32 v26, $5.000000000e-01;
	v26 =	vadd.s32 v15, v35  }
0x6f: {  	vm10 =	vge.f32 v32, $5.000000000e-01;
	v32 =	vsel vm8, $0x1, v0;
	(xrf0) =	vadd.scan.msk.s32 $0xffff, v18;
	v18 =	vshll.u32 v26, $0x1  }
0x70: {  	v34 =	vsel vm12, $0x1, v0;
	vm13 =	vge.f32 v31, $5.000000000e-01;
	vm9 =	vge.f32 v23, $5.000000000e-01  }
0x71: {  	v23 =	vsel vm10, $0x1, v0;
	vm15 =	vge.f32 v20, $5.000000000e-01;
	v20 =	vsel vm13, $0x1, v0;
	(xrf0) =	vadd.scan.msk.s32 $0xffff, v34  }
0x72: {  	v31 =	vsel vm15, $0x1, v0;
	v34 =	vmpcnt.ones.xlane vm15;
	(xrf0) =	vadd.scan.msk.s32 $0xffff, v20;
	v20 =	vor.u32 v29, v24  }
0x73: {  	v24 =	vmpcnt.ones.xlane vm12;
	vm11 =	vge.f32 v28, $5.000000000e-01;
	(xrf0) =	vadd.scan.msk.s32 $0xffff, v31;
	v28 =	vor.u32 $0x80, v20  }
0x74: {  	v31 =	vmpcnt.ones.xlane vm13;
	v29 =	vadd.s32 v14, v34;
	v34 =	vsel vm11, $0x1, v0  }
0x75: {  	v20 =	vmpcnt.ones.xlane vm8;
	v35 =	vadd.s32 v29, v36;
	v36 =	vsel vm9, $0x1, v0;
	v37, _, _ =	vpop (xrf0);
	(xrf0) =	vadd.scan.msk.s32 $0xffff, v34  }
0x76: {  	v29 =	vadd.s32 v29, v37;
	v24 =	vadd.s32 v35, v24;
	(xrf0) =	vadd.scan.msk.s32 $0xffff, v32;
	v32 =	vor.u32 $0x80, v21  }
0x77: {  	v34 =	vmpcnt.ones.xlane vm9;
	v21 =	vshll.u32 v29, $0x1;
	v31 =	vadd.s32 v24, v31;
	v37, _, _ =	vpop (xrf0)  }
0x78: {  	v27 =	vor.u32 v30, v27;
	v29 =	vand.u32 $0x7F, v29;
	v21 =	vand.u32 $0xFFFFFF00, v21;
	v38, _, _ =	vpop (xrf0);
	[tilespmem:v28+s12+$0x0] =	vst.idx.msk vm4, v3  }
0x79: {  	v28 =	vor.u32 v29, v21;
	v24 =	vadd.s32 v24, v38;
	v21 =	vadd.s32 $0x60, v9;
	v3, _, _ =	vpop (xrf0);
	(xrf0) =	vadd.scan.msk.s32 $0xffff, v36  }
0x7a: {  	v30 =	vor.u32 $0x80, v33;
	v29 =	vmpcnt.ones.xlane vm10;
	v14 =	vadd.s32 v14, v3;
	v3 =	vmovc v25  }
0x7b: {  	v36 =	vand.u32 $0x7F, v19;
	v25 =	vand.u32 $0x7F, v14;
	v14 =	vshll.u32 v14, $0x1;
	v33, _, _ =	vpop (xrf0)  }
0x7c: {  	v26 =	vand.u32 $0x7F, v26;
	v35 =	vadd.s32 v35, v37;
	v14 =	vand.u32 $0xFFFFFF00, v14;
	(xrf0) =	vadd.scan.msk.s32 $0xffff, v23;
	v23, _, _ =	vpop (xrf0)  }
0x7d: {  	v37 =	vmpcnt.ones.xlane vm11;
	v14 =	vor.u32 v25, v14;
	v25 =	vshll.u32 v35, $0x1;
	[tilespmem:v32+s12+$0x0] =	vst.idx.msk vm6, v1;
	v1 =	vmovc v9  }
0x7e: {  	v27 =	vor.u32 $0x80, v27;
	[tilespmem:v28+s12+$0x0] =	vst.idx.msk vm14, v3;
	v25 =	vand.u32 $0xFFFFFF00, v25;
	v28 =	vshll.u32 v24, $0x1  }
0x7f: {  	v38 =	vadd.s32 $0x30, v9;
	v37 =	vadd.s32 v31, v37;
	v32 =	vld [tilespmem:s24+$0x10];
	v28 =	vand.u32 $0xFFFFFF00, v28;
	v39, _, _ =	vpop (xrf0);
	[tilespmem:v30+s12+$0x0] =	vst.idx.msk vm7, v5  }
0x80: {  	v5 =	vand.u32 $0x7F, v24;
	v24 =	vadd.s32 v31, v33;
	v30 =	vadd.s32 v37, v34  }
0x81: {  	v31 =	vand.u32 $0x7F, v35;
	v28 =	vor.u32 v5, v28;
	v5 =	vadd.s32 $0x40, v9  }
0x82: {  	[tilespmem:v14+s12+$0x0] =	vst.idx.msk vm15, v9;
	v14 =	vor.u32 v31, v25;
	v25 =	vadd.s32 v30, v29;
	v29, _, _ =	vpop (xrf0);
	v31 =	vshll.u32 v22, $0x1  }
0x83: {  	v19 =	vshll.u32 v19, $0x1;
	v29 =	vadd.s32 v30, v29;
	v23 =	vadd.s32 v25, v23;
	[tilespmem:v27+s12+$0x0] =	vst.idx.msk vm5, v4  }
0x84: {  	v19 =	vand.u32 $0xFFFFFF00, v19;
	v4 =	vmovc v38;
	vm4 =	vge.f32 v32, $5.000000000e-01;
	v27 =	vshll.u32 v29, $0x1  }
0x85: {  	v30 =	vshll.u32 v24, $0x1;
	v31 =	vand.u32 $0xFFFFFF00, v31;
	v27 =	vand.u32 $0xFFFFFF00, v27;
	(xrf0) =	vadd.scan.msk.s32 $0xffff, v17  }
0x86: {  	v19 =	vor.u32 v19, v36;
	v32 =	vand.u32 $0x7F, v23;
	v17 =	vadd.s32 v37, v39  }
0x87: {  	v22 =	vand.u32 $0x7F, v22;
	[tilespmem:v14+s12+$0x0] =	vst.idx.msk vm12, v16;
	v14 =	vand.u32 $0x7F, v24;
	v24 =	vand.u32 $0xFFFFFF00, v30  }
0x88: {  	v19 =	vor.u32 $0x80, v19;
	v30 =	vld [tilespmem:s24+$0x20];
	v14 =	vor.u32 v14, v24;
	v24 =	vshll.u32 v17, $0x1  }
0x89: {  	v35 =	vand.u32 $0x7F, v29;
	v23 =	vshll.u32 v23, $0x1;
	v34 =	vsel vm4, $0x1, v0;
	v33 =	vld [tilespmem:s24+$0x0];
	[tilespmem:v28+s12+$0x0] =	vst.idx.msk vm13, v4  }
0x8a: {  	v22 =	vor.u32 v31, v22;
	v27 =	vor.u32 v35, v27;
	v24 =	vand.u32 $0xFFFFFF00, v24;
	v29 =	vld [tilespmem:s24+$0x30]  }
0x8b: {  	v23 =	vand.u32 $0xFFFFFF00, v23;
	v22 =	vor.u32 $0x80, v22;
	v17 =	vand.u32 $0x7F, v17;
	(xrf0) =	vadd.scan.msk.s32 $0xffff, v34;
	v28, _, _ =	vpop (xrf0)  }
0x8c: {  	v23 =	vor.u32 v32, v23;
	v17 =	vor.u32 v17, v24;
	v10 =	vadd.s32 v10, v28  }
0x8d: {  	v18 =	vand.u32 $0xFFFFFF00, v18;
	vm7 =	vge.f32 v30, $5.000000000e-01;
	[tilespmem:v14+s12+$0x0] =	vst.idx.msk vm11, v5;
	v14 =	vshll.u32 v10, $0x1  }
0x8e: {  	v18 =	vor.u32 v18, v26;
	v24 =	vsel vm7, $0x1, v0;
	v14 =	vand.u32 $0xFFFFFF00, v14  }
0x8f: {  	v10 =	vand.u32 $0x7F, v10;
	vm6 =	vge.f32 v33, $5.000000000e-01;
	vm5 =	vge.f32 v29, $5.000000000e-01;
	v26 =	vld [tilespmem:s24+$0x40];
	[tilespmem:v27+s12+$0x0] =	vst.idx.msk vm10, v21  }
0x90: {  	v27 =	vsel vm6, $0x1, v0;
	v28 =	vmpcnt.ones.xlane vm6;
	v10 =	vor.u32 v14, v10;
	v29 =	vld [tilespmem:s24+$0x60];
	[tilespmem:v19+s12+$0x0] =	vst.idx.msk vm0, v2;
	v2 =	vmovc v16  }
0x91: {  	v18 =	vor.u32 $0x80, v18;
	v14 =	vadd.s32 v25, v20;
	v10 =	vor.u32 $0x80, v10;
	(xrf0) =	vadd.scan.msk.s32 $0xffff, v27;
	v16, _, _ =	vpop (xrf0)  }
0x92: {  	v20 =	vadd.s32 v15, v13;
	v19 =	vsel vm5, $0x1, v0;
	vm0 =	vmmov vm7;
	[tilespmem:v23+s12+$0x0] =	vst.idx.msk vm8, v11  }
0x93: {  	v15 =	vmpcnt.ones.xlane vm4;
	[tilespmem:v17+s12+$0x0] =	vst.idx.msk vm9, v12;
	(xrf0) =	vadd.scan.msk.s32 $0xffff, v19  }
0x94: {  	v13 =	vadd.s32 v20, v28;
	v17 =	vmpcnt.ones.xlane vm0;
	v19 =	vld [tilespmem:s24+$0x70];
	[tilespmem:v22+s12+$0x0] =	vst.idx.msk vm1, v6;
	v6 =	vmov v21  }
0x95: {  	v15 =	vadd.s32 v13, v15;
	vm7 =	vge.f32 v26, $5.000000000e-01;
	v21 =	vld [tilespmem:s24+$0x50];
	vm1 =	vge.f32 v29, $5.000000000e-01;
	(xrf0) =	vadd.scan.msk.s32 $0xffff, v24  }
0x96: {  	v22 =	vmpcnt.ones.xlane vm5;
	v17 =	vadd.s32 v15, v17;
	v23 =	vmpcnt.ones.xlane vm7;
	[tilespmem:v18+s12+$0x0] =	vst.idx.msk vm3, v7;
	v7 =	vmovc v11  }
0x97: {  	v11 =	vsel vm7, $0x1, v0;
	v24 =	vsel vm1, $0x1, v0;
	v25, _, _ =	vpop (xrf0);
	[tilespmem:v10+s12+$0x0] =	vst.idx.msk vm2, v8;
	v8 =	vmov v12  }
.Ltmp1:
0x98: {  	v9 =	vadd.s32 $0x80, v9;
	v18 =	vadd.s32 v17, v22;
	v12 =	vmpcnt.ones.xlane vm1;
	(xrf0) =	vadd.scan.msk.s32 $0xffff, v11;
	(pc) =	sbr.rel @p1 .LBB2_5-.Ltmp1, $4  }
0x99: {  	v10 =	vadd.s32 v18, v23;
	v25 =	vadd.s32 v20, v25;
	vm3 =	vge.f32 v19, $5.000000000e-01;
	v19, _, _ =	vpop (xrf0)  }
0x9a: {  	v20 =	vshll.u32 v25, $0x1;
	vm2 =	vge.f32 v21, $5.000000000e-01;
	v21 =	vsel vm3, $0x1, v0;
	(xrf0) =	vadd.scan.msk.s32 $0xffff, v24  }
0x9b: {  	v22 =	vand.u32 $0x7F, v25;
	v23 =	vand.u32 $0xFFFFFF00, v20;
	v20 =	vmpcnt.ones.xlane vm2;
	v11, _, _ =	vpop (xrf0);
	(xrf0) =	vadd.scan.msk.s32 $0xffff, v21  }
0x9c: {  	s24 =	sadd.s32 $0x100, s24;
	v21 =	vor.u32 v23, v22;
	v22 =	vadd.s32 v17, v19;
	v17 =	vsel vm2, $0x1, v0  }
0x9d: {  	v9 =	vadd.s32 v13, v16;
	v11 =	vadd.s32 v15, v11  }
0x9e: {  	v53 =	vand.u32 $0x7F, v22;
	v55 =	vshll.u32 v22, $0x1;
	v56 =	vadd.s32 v10, v20  }
0x9f: {  	v60 =	vor.u32 $0x80, v21;
	v54 =	vshll.u32 v9, $0x1;
	v12 =	vadd.s32 v56, v12  }
0xa0: {  	v14, _, _ =	vpop (xrf0);
	v9 =	vand.u32 $0x7F, v9;
	v16 =	vand.u32 $0xFFFFFF00, v55;
	v61 =	vand.u32 $0x7F, v11  }
0xa1: {  	v11 =	vshll.u32 v11, $0x1;
	v14 =	vadd.s32 v18, v14;
	v15 =	vand.u32 $0xFFFFFF00, v54;
	v19, _, _ =	vpop (xrf0);
	(xrf0) =	vadd.scan.msk.s32 $0xffff, v17  }
0xa2: {  	v13 =	vor.u32 v16, v53;
	v11 =	vand.u32 $0xFFFFFF00, v11;
	v57 =	vand.u32 $0x7F, v14  }
0xa3: {  	v14 =	vshll.u32 v14, $0x1;
	v9 =	vor.u32 v15, v9;
	v13 =	vor.u32 $0x80, v13  }
0xa4: {  	v11 =	vor.u32 v11, v61;
	v58, _, _ =	vpop (xrf0);
	v18 =	vadd.s32 v56, v19;
	v14 =	vand.u32 $0xFFFFFF00, v14  }
0xa5: {  	v9 =	vor.u32 $0x80, v9;
	v11 =	vor.u32 $0x80, v11;
	v12 =	vadd.s32 v12, v58  }
0xa6: {  	v14 =	vor.u32 v14, v57;
	v19 =	vshll.u32 v18, $0x1;
	v62 =	vand.u32 $0x7F, v18  }
0xa7: {  	v59 =	vshll.u32 v12, $0x1;
	v14 =	vor.u32 $0x80, v14;
	v19 =	vand.u32 $0xFFFFFF00, v19;
	v63, _, _ =	vpop (xrf0)  }
0xa8: {  	v12 =	vand.u32 $0x7F, v12;
	v16 =	vor.u32 v19, v62;
	v10 =	vadd.s32 v10, v63  }
0xa9: {  	v15 =	vand.u32 $0xFFFFFF00, v59;
	v16 =	vor.u32 $0x80, v16;
	v18 =	vshll.u32 v10, $0x1  }
0xaa: {  	[tilespmem:v9+s12+$0x0] =	vst.idx.msk vm4, v3;
	v9 =	vor.u32 v15, v12;
	v10 =	vand.u32 $0x7F, v10;
	v3 =	vand.u32 $0xFFFFFF00, v18  }
0xab: {  	[tilespmem:v60+s12+$0x0] =	vst.idx.msk vm6, v1;
	v1 =	vor.u32 v3, v10;
	v3 =	vor.u32 $0x80, v9  }
0xac: {  	[tilespmem:v13+s12+$0x0] =	vst.idx.msk vm5, v4;
	v1 =	vor.u32 $0x80, v1  }
0xad: {  	[tilespmem:v11+s12+$0x0] =	vst.idx.msk vm0, v2  }
0xae: {  	[tilespmem:v14+s12+$0x0] =	vst.idx.msk vm7, v5  }
0xaf: {  	[tilespmem:v16+s12+$0x0] =	vst.idx.msk vm1, v6  }
0xb0: {  	s21 =	sadd.s32 s2, s21;
	[tilespmem:v3+s12+$0x0] =	vst.idx.msk vm3, v7  }
0xb1: {  	s30 =	smin.u32 s22, $0xFD;
	s20 =	sadd.s32 s20, s21;
	[tilespmem:v1+s12+$0x0] =	vst.idx.msk vm2, v8  }
0xb2: {  	[hbm4b:s20+s8] =	stream.strided.scatter [tilespmem:s12], [sflag:$0x3], $0x2000, s9, s8, $0x38;
	[tilespmem:$0x8000] =	vst v63  }
0xb3: {  	s20 =	sadd.s32 $0x2, s30  }
0xb4: {  	s31 =	sshll.u32 s20, $0xA;
	s20 =	sshll.u32 s20, $0x5  }
0xb5: {  	_ =	swait.ge [sflag:s13], $0x2000;
	s21 =	sadd.s32 s5, s31;
	s20 =	sand.u32 $0x60, s20  }
0xb6: {  	[sflag:s13] =	ssyncset.done $0x0;
	s21 =	sand.u32 $0xFFF000, s21;
	s20 =	sadd.s32 s1, s20  }
0xb7: {  	[sflag:s13] =	ssyncadd.s32 $0xFFFFE000;
	s20 =	sadd.s32 s21, s20  }
0xb8: {  	[tilespmem:s4], [sflag:$0x1] =	stream.strided.gather [hbm4b:s20+s8], $0x2000, s9, s8, $0x38;
	[tilespmem:$0x8000] =	vst v63  }
0xb9: {  	s20 =	simm.s32 @!p0 $0x4  }
0xba: {  	_ =	swait.ge @!p0 [sflag:s20], $0x2000  }
0xbb: {  	[sflag:s20] =	ssyncset.done @!p0 $0x0  }
0xbc: {  	v10 =	vimm.s32 $0xFFFFFFFF;
	s21 =	simm.s32 $0x6080;
	[sflag:s20] =	ssyncadd.s32 @!p0 $0xFFFFE000  }
0xbd: {  	[tilespmem:s21+$0x70] =	vst v10  }
0xbe: {  	[tilespmem:s21+$0xFFFFFF80] =	vst v10  }
0xbf: {  	[tilespmem:s21+$0x0] =	vst v10  }
0xc0: {  	[tilespmem:s21+$0xFFFFFF90] =	vst v10  }
0xc1: {  	[tilespmem:s21+$0x10] =	vst v10  }
0xc2: {  	[tilespmem:s21+$0xFFFFFFA0] =	vst v10  }
0xc3: {  	[tilespmem:s21+$0x20] =	vst v10  }
0xc4: {  	[tilespmem:s21+$0xFFFFFFB0] =	vst v10  }
0xc5: {  	[tilespmem:s21+$0x30] =	vst v10  }
0xc6: {  	[tilespmem:s21+$0xFFFFFFC0] =	vst v10  }
0xc7: {  	[tilespmem:s21+$0x40] =	vst v10  }
0xc8: {  	[tilespmem:s21+$0xFFFFFFD0] =	vst v10  }
0xc9: {  	[tilespmem:s21+$0x50] =	vst v10  }
0xca: {  	[tilespmem:s21+$0xFFFFFFE0] =	vst v10  }
0xcb: {  	s22 =	simm.s32 $0x0;
	s20 =	simm.s32 $0x2080;
	[tilespmem:s21+$0x60] =	vst v10  }
.LBB2_7:
0xcc: {  	s22 =	sadd.s32 $0x8, s22;
	[tilespmem:s21+$0xFFFFFFF0] =	vst v10;
	s21 =	sadd.s32 $0x100, s21  }
0xcd: {  	v1 =	vlaneseq.u32;
	[tilespmem:s21+$0x70] =	vst v10;
	p0 =	slt.u32 s22, $0xF8  }
0xce: {  	[tilespmem:s21+$0xFFFFFF80] =	vst v10  }
0xcf: {  	[tilespmem:s21+$0x0] =	vst v10  }
0xd0: {  	[tilespmem:s21+$0xFFFFFF90] =	vst v10  }
0xd1: {  	[tilespmem:s21+$0x10] =	vst v10  }
0xd2: {  	[tilespmem:s21+$0xFFFFFFA0] =	vst v10  }
0xd3: {  	[tilespmem:s21+$0x20] =	vst v10  }
0xd4: {  	[tilespmem:s21+$0xFFFFFFB0] =	vst v10  }
0xd5: {  	[tilespmem:s21+$0x30] =	vst v10  }
0xd6: {  	[tilespmem:s21+$0xFFFFFFC0] =	vst v10  }
.Ltmp2:
0xd7: {  	[tilespmem:s21+$0x40] =	vst v10;
	(pc) =	sbr.rel @p0 .LBB2_7-.Ltmp2, $4  }
0xd8: {  	[tilespmem:s21+$0xFFFFFFD0] =	vst v10  }
0xd9: {  	[tilespmem:s21+$0x50] =	vst v10  }
0xda: {  	[tilespmem:s21+$0xFFFFFFE0] =	vst v10  }
0xdb: {  	[tilespmem:s21+$0x60] =	vst v10  }
0xdc: {  	[tilespmem:s21+$0xFFFFFFF0] =	vst v10  }
0xdd: {  	v2 =	vld [tilespmem:s20+$0xFFFFFF90]  }
0xde: {  	v3 =	vld [tilespmem:s20+$0xFFFFFFA0]  }
0xdf: {  	v4 =	vld [tilespmem:s20+$0xFFFFFFB0]  }
0xe0: {  	v5 =	vld [tilespmem:s20+$0xFFFFFF80]  }
0xe1: {  	v6 =	vld [tilespmem:s20+$0xFFFFFFF0]  }
0xe2: {  	v7 =	vld [tilespmem:s20+$0xFFFFFFE0];
	vm6 =	vge.f32 v2, $5.000000000e-01  }
0xe3: {  	v8 =	vld [tilespmem:s20+$0xFFFFFFD0];
	vm4 =	vge.f32 v3, $5.000000000e-01;
	v2 =	vsel vm6, $0x1, v0  }
0xe4: {  	vm3 =	vge.f32 v4, $5.000000000e-01;
	v4 =	vld [tilespmem:s20+$0xFFFFFFC0];
	(xrf0) =	vadd.scan.msk.s32 $0xffff, v2;
	v2 =	vsel vm4, $0x1, v0  }
0xe5: {  	vm7 =	vge.f32 v5, $5.000000000e-01;
	v3 =	vsel vm3, $0x1, v0;
	(xrf0) =	vadd.scan.msk.s32 $0xffff, v2  }
0xe6: {  	vm0 =	vge.f32 v6, $5.000000000e-01;
	v5 =	vsel vm7, $0x1, v0;
	v6 =	vmpcnt.ones.xlane vm7;
	(xrf0) =	vadd.scan.msk.s32 $0xffff, v3  }
0xe7: {  	vm2 =	vge.f32 v7, $5.000000000e-01;
	(xrf0) =	vadd.scan.msk.s32 $0xffff, v5  }
0xe8: {  	vm1 =	vge.f32 v8, $5.000000000e-01;
	v7 =	vsel vm0, $0x1, v0;
	v8 =	vmpcnt.ones.xlane vm4  }
0xe9: {  	v9 =	vmpcnt.ones.xlane vm3;
	v5 =	vmpcnt.ones.xlane vm6;
	vm5 =	vge.f32 v4, $5.000000000e-01  }
0xea: {  	v13 =	vsel vm2, $0x1, v0;
	v4 =	vadd.s32 v10, v6;
	v11 =	vsel vm5, $0x1, v0;
	v6, _, _ =	vpop (xrf0)  }
0xeb: {  	v2 =	vadd.s32 $0x20, v1;
	v5 =	vadd.s32 v4, v5;
	(xrf0) =	vadd.scan.msk.s32 $0xffff, v11;
	v12, _, _ =	vpop (xrf0);
	v4 =	vadd.s32 v4, v6  }
0xec: {  	v11 =	vsel vm1, $0x1, v0;
	v6 =	vadd.s32 v5, v8;
	(xrf0) =	vadd.scan.msk.s32 $0xffff, v7;
	v8, _, _ =	vpop (xrf0);
	v7 =	vshll.u32 v4, $0x1  }
0xed: {  	v9 =	vadd.s32 v6, v9;
	v4 =	vand.u32 $0x7F, v4;
	v5 =	vadd.s32 v5, v12;
	v14, _, _ =	vpop (xrf0)  }
0xee: {  	(xrf0) =	vadd.scan.msk.s32 $0xffff, v11;
	v7 =	vand.u32 $0xFFFFFF00, v7;
	v6 =	vadd.s32 v6, v8;
	v11 =	vadd.s32 v10, v14  }
0xef: {  	(xrf0) =	vadd.scan.msk.s32 $0xffff, v13;
	v12 =	vshll.u32 v5, $0x1;
	v13 =	vmpcnt.ones.xlane vm5;
	v8 =	vand.u32 $0x7F, v11  }
0xf0: {  	v5 =	vand.u32 $0x7F, v5;
	v4 =	vor.u32 v4, v7;
	v7 =	vshll.u32 v11, $0x1  }
0xf1: {  	v14 =	vmpcnt.ones.xlane vm1;
	v15 =	vshll.u32 v6, $0x1;
	v7 =	vand.u32 $0xFFFFFF00, v7  }
0xf2: {  	v12 =	vand.u32 $0xFFFFFF00, v12;
	v6 =	vand.u32 $0x7F, v6;
	v7 =	vor.u32 v8, v7;
	v8, _, _ =	vpop (xrf0)  }
0xf3: {  	v11 =	vmpcnt.ones.xlane vm2;
	v15 =	vand.u32 $0xFFFFFF00, v15;
	v13 =	vadd.s32 v9, v13;
	v16, _, _ =	vpop (xrf0)  }
0xf4: {  	v5 =	vor.u32 v5, v12;
	v8 =	vadd.s32 v9, v8;
	v9 =	vadd.s32 v13, v14;
	v17, _, _ =	vpop (xrf0)  }
0xf5: {  	v3 =	vadd.s32 $0x10, v1;
	v6 =	vor.u32 v6, v15;
	v11 =	vadd.s32 v9, v11;
	v12, _, _ =	vpop (xrf0)  }
0xf6: {  	[tilespmem:v4+s14+$0x0] =	vst.idx.msk vm6, v3;
	v9 =	vadd.s32 v9, v12;
	v12 =	vshll.u32 v8, $0x1;
	v8 =	vand.u32 $0x7F, v8  }
0xf7: {  	v14 =	vld [tilespmem:s20+$0x10];
	v4 =	vshll.u32 v9, $0x1;
	v12 =	vand.u32 $0xFFFFFF00, v12;
	v9 =	vand.u32 $0x7F, v9  }
0xf8: {  	[tilespmem:v7+s14+$0x0] =	vst.idx.msk vm7, v1;
	v7 =	vand.u32 $0xFFFFFF00, v4;
	v8 =	vor.u32 v8, v12;
	v12 =	vadd.s32 v11, v16  }
0xf9: {  	[tilespmem:v5+s14+$0x0] =	vst.idx.msk vm4, v2;
	v15 =	vld [tilespmem:s20+$0x0];
	v4 =	vadd.s32 $0x30, v1;
	v9 =	vor.u32 v9, v7;
	v16 =	vshll.u32 v12, $0x1  }
0xfa: {  	v7 =	vadd.s32 v13, v17;
	v13 =	vld [tilespmem:s20+$0x20];
	v12 =	vand.u32 $0x7F, v12;
	[tilespmem:v6+s14+$0x0] =	vst.idx.msk vm3, v4;
	v6 =	vand.u32 $0xFFFFFF00, v16  }
0xfb: {  	v5 =	vadd.s32 $0x40, v1;
	v17 =	vshll.u32 v7, $0x1;
	v12 =	vor.u32 v12, v6  }
0xfc: {  	vm4 =	vge.f32 v14, $5.000000000e-01;
	v16 =	vld [tilespmem:s20+$0x30];
	v7 =	vand.u32 $0x7F, v7;
	v17 =	vand.u32 $0xFFFFFF00, v17  }
0xfd: {  	v6 =	vadd.s32 $0x60, v1;
	v14 =	vor.u32 v7, v17;
	v7 =	vadd.s32 $0x70, v1;
	[tilespmem:v8+s14+$0x0] =	vst.idx.msk vm5, v5  }
0xfe: {  	v17 =	vsel vm4, $0x1, v0;
	vm6 =	vge.f32 v15, $5.000000000e-01;
	v15 =	vmpcnt.ones.xlane vm0;
	v18 =	vld [tilespmem:s20+$0x40];
	[tilespmem:v9+s14+$0x0] =	vst.idx.msk vm2, v6  }
0xff: {  	v8 =	vadd.s32 $0x50, v1;
	(xrf0) =	vadd.scan.msk.s32 $0xffff, v17;
	vm2 =	vge.f32 v13, $5.000000000e-01;
	v9 =	vsel vm6, $0x1, v0;
	v17 =	vld [tilespmem:s20+$0x60]  }
0x100: {  	v13 =	vmpcnt.ones.xlane vm6;
	(xrf0) =	vadd.scan.msk.s32 $0xffff, v9;
	[tilespmem:v12+s14+$0x0] =	vst.idx.msk vm0, v7;
	vm0 =	vmmov vm2  }
0x101: {  	vm5 =	vge.f32 v16, $5.000000000e-01;
	v9 =	vmpcnt.ones.xlane vm4;
	v16 =	vmpcnt.ones.xlane vm0  }
0x102: {  	v19 =	vsel vm2, $0x1, v0;
	v12 =	vsel vm5, $0x1, v0;
	v13 =	vadd.s32 v10, v13;
	[tilespmem:v14+s14+$0x0] =	vst.idx.msk vm1, v8;
	v20 =	vld [tilespmem:s20+$0x70]  }
0x103: {  	v14 =	vadd.s32 v11, v15;
	(xrf0) =	vadd.scan.msk.s32 $0xffff, v12;
	v15 =	vadd.s32 v13, v9;
	v9 =	vmpcnt.ones.xlane vm5;
	v11 =	vld [tilespmem:s20+$0x50]  }
0x104: {  	(xrf0) =	vadd.scan.msk.s32 $0xffff, v19;
	vm7 =	vge.f32 v18, $5.000000000e-01;
	vm1 =	vge.f32 v17, $5.000000000e-01;
	v17 =	vadd.s32 v15, v16  }
0x105: {  	v19 =	vmpcnt.ones.xlane vm7;
	v21 =	vsel vm7, $0x1, v0;
	v16, _, _ =	vpop (xrf0);
	v22 =	vsel vm1, $0x1, v0  }
0x106: {  	v18 =	vadd.s32 v17, v9;
	v12 =	vmpcnt.ones.xlane vm1;
	v9 =	vadd.s32 $0x80, v1;
	v23, _, _ =	vpop (xrf0);
	(xrf0) =	vadd.scan.msk.s32 $0xffff, v21  }
0x107: {  	vm2 =	vge.f32 v20, $5.000000000e-01;
	v23 =	vadd.s32 v10, v23;
	v10 =	vadd.s32 v18, v19  }
0x108: {  	vm3 =	vge.f32 v11, $5.000000000e-01;
	v21 =	vsel vm2, $0x1, v0;
	(xrf0) =	vadd.scan.msk.s32 $0xffff, v22;
	v19 =	vshll.u32 v23, $0x1  }
0x109: {  	v24, _, _ =	vpop (xrf0);
	v22 =	vand.u32 $0x7F, v23;
	v20 =	vmpcnt.ones.xlane vm3;
	(xrf0) =	vadd.scan.msk.s32 $0xffff, v21;
	v19 =	vand.u32 $0xFFFFFF00, v19  }
0x10a: {  	s21 =	simm.s32 $0x2180;
	s20 =	simm.s32 $0x0;
	v11, _, _ =	vpop (xrf0);
	v21 =	vor.u32 v19, v22;
	v22 =	vadd.s32 v17, v24;
	v17 =	vsel vm3, $0x1, v0  }
.LBB2_9:
0x10b: {  	v23 =	vld [tilespmem:s21+$0xFFFFFF90];
	s20 =	sadd.s32 $0x8, s20;
	v24 =	vadd.s32 v13, v16;
	v19 =	vadd.s32 v15, v11;
	v13 =	vmpcnt.ones.xlane vm2  }
0x10c: {  	v25 =	vadd.s32 $0x10, v9;
	v11 =	vadd.s32 $0x70, v9;
	v27 =	vand.u32 $0x7F, v22;
	v26 =	vld [tilespmem:s21+$0xFFFFFFF0];
	p0 =	slt.u32 s20, $0xF8;
	v15, _, _ =	vpop (xrf0)  }
0x10d: {  	v30 =	vshll.u32 v22, $0x1;
	v29 =	vshll.u32 v24, $0x1;
	v28 =	vld [tilespmem:s21+$0xFFFFFFA0];
	v15 =	vadd.s32 v18, v15  }
0x10e: {  	v16 =	vadd.s32 $0x20, v9;
	v29 =	vand.u32 $0xFFFFFF00, v29;
	v18 =	vadd.s32 v10, v20;
	v31 =	vld [tilespmem:s21+$0xFFFFFFB0];
	v20, _, _ =	vpop (xrf0)  }
0x10f: {  	v33 =	vand.u32 $0x7F, v15;
	v34 =	vshll.u32 v15, $0x1;
	v15 =	vadd.s32 v18, v12;
	v32 =	vld [tilespmem:s21+$0xFFFFFFE0];
	v35, _, _ =	vpop (xrf0)  }
0x110: {  	v12 =	vadd.s32 $0x50, v9;
	v22 =	vadd.s32 v18, v20;
	vm14 =	vge.f32 v23, $5.000000000e-01;
	v23 =	vld [tilespmem:s21+$0xFFFFFFD0]  }
0x111: {  	v24 =	vand.u32 $0x7F, v24;
	v18 =	vand.u32 $0xFFFFFF00, v34;
	v20 =	vld [tilespmem:s21+$0xFFFFFF80];
	v36 =	vmpcnt.ones.xlane vm14  }
0x112: {  	v30 =	vand.u32 $0xFFFFFF00, v30;
	v33 =	vor.u32 v18, v33;
	vm12 =	vge.f32 v28, $5.000000000e-01;
	v28 =	vld [tilespmem:s21+$0xFFFFFFC0]  }
0x113: {  	v18 =	vsel vm14, $0x1, v0;
	vm8 =	vge.f32 v26, $5.000000000e-01;
	v26 =	vadd.s32 v15, v35  }
0x114: {  	vm10 =	vge.f32 v32, $5.000000000e-01;
	v32 =	vsel vm8, $0x1, v0;
	(xrf0) =	vadd.scan.msk.s32 $0xffff, v18;
	v18 =	vshll.u32 v26, $0x1  }
0x115: {  	v34 =	vsel vm12, $0x1, v0;
	vm13 =	vge.f32 v31, $5.000000000e-01;
	vm9 =	vge.f32 v23, $5.000000000e-01  }
0x116: {  	v23 =	vsel vm10, $0x1, v0;
	vm15 =	vge.f32 v20, $5.000000000e-01;
	v20 =	vsel vm13, $0x1, v0;
	(xrf0) =	vadd.scan.msk.s32 $0xffff, v34  }
0x117: {  	v31 =	vsel vm15, $0x1, v0;
	v34 =	vmpcnt.ones.xlane vm15;
	(xrf0) =	vadd.scan.msk.s32 $0xffff, v20;
	v20 =	vor.u32 v29, v24  }
0x118: {  	v24 =	vmpcnt.ones.xlane vm12;
	vm11 =	vge.f32 v28, $5.000000000e-01;
	(xrf0) =	vadd.scan.msk.s32 $0xffff, v31;
	v28 =	vor.u32 $0x80, v20  }
0x119: {  	v31 =	vmpcnt.ones.xlane vm13;
	v29 =	vadd.s32 v14, v34;
	v34 =	vsel vm11, $0x1, v0  }
0x11a: {  	v20 =	vmpcnt.ones.xlane vm8;
	v35 =	vadd.s32 v29, v36;
	v36 =	vsel vm9, $0x1, v0;
	v37, _, _ =	vpop (xrf0);
	(xrf0) =	vadd.scan.msk.s32 $0xffff, v34  }
0x11b: {  	v29 =	vadd.s32 v29, v37;
	v24 =	vadd.s32 v35, v24;
	(xrf0) =	vadd.scan.msk.s32 $0xffff, v32;
	v32 =	vor.u32 $0x80, v21  }
0x11c: {  	v34 =	vmpcnt.ones.xlane vm9;
	v21 =	vshll.u32 v29, $0x1;
	v31 =	vadd.s32 v24, v31;
	v37, _, _ =	vpop (xrf0)  }
0x11d: {  	v27 =	vor.u32 v30, v27;
	v29 =	vand.u32 $0x7F, v29;
	v21 =	vand.u32 $0xFFFFFF00, v21;
	v38, _, _ =	vpop (xrf0);
	[tilespmem:v28+s14+$0x0] =	vst.idx.msk vm4, v3  }
0x11e: {  	v28 =	vor.u32 v29, v21;
	v24 =	vadd.s32 v24, v38;
	v21 =	vadd.s32 $0x60, v9;
	v3, _, _ =	vpop (xrf0);
	(xrf0) =	vadd.scan.msk.s32 $0xffff, v36  }
0x11f: {  	v30 =	vor.u32 $0x80, v33;
	v29 =	vmpcnt.ones.xlane vm10;
	v14 =	vadd.s32 v14, v3;
	v3 =	vmovc v25  }
0x120: {  	v36 =	vand.u32 $0x7F, v19;
	v25 =	vand.u32 $0x7F, v14;
	v14 =	vshll.u32 v14, $0x1;
	v33, _, _ =	vpop (xrf0)  }
0x121: {  	v26 =	vand.u32 $0x7F, v26;
	v35 =	vadd.s32 v35, v37;
	v14 =	vand.u32 $0xFFFFFF00, v14;
	(xrf0) =	vadd.scan.msk.s32 $0xffff, v23;
	v23, _, _ =	vpop (xrf0)  }
0x122: {  	v37 =	vmpcnt.ones.xlane vm11;
	v14 =	vor.u32 v25, v14;
	v25 =	vshll.u32 v35, $0x1;
	[tilespmem:v32+s14+$0x0] =	vst.idx.msk vm6, v1;
	v1 =	vmovc v9  }
0x123: {  	v27 =	vor.u32 $0x80, v27;
	[tilespmem:v28+s14+$0x0] =	vst.idx.msk vm14, v3;
	v25 =	vand.u32 $0xFFFFFF00, v25;
	v28 =	vshll.u32 v24, $0x1  }
0x124: {  	v38 =	vadd.s32 $0x30, v9;
	v37 =	vadd.s32 v31, v37;
	v32 =	vld [tilespmem:s21+$0x10];
	v28 =	vand.u32 $0xFFFFFF00, v28;
	v39, _, _ =	vpop (xrf0);
	[tilespmem:v30+s14+$0x0] =	vst.idx.msk vm7, v5  }
0x125: {  	v5 =	vand.u32 $0x7F, v24;
	v24 =	vadd.s32 v31, v33;
	v30 =	vadd.s32 v37, v34  }
0x126: {  	v31 =	vand.u32 $0x7F, v35;
	v28 =	vor.u32 v5, v28;
	v5 =	vadd.s32 $0x40, v9  }
0x127: {  	[tilespmem:v14+s14+$0x0] =	vst.idx.msk vm15, v9;
	v14 =	vor.u32 v31, v25;
	v25 =	vadd.s32 v30, v29;
	v29, _, _ =	vpop (xrf0);
	v31 =	vshll.u32 v22, $0x1  }
0x128: {  	v19 =	vshll.u32 v19, $0x1;
	v29 =	vadd.s32 v30, v29;
	v23 =	vadd.s32 v25, v23;
	[tilespmem:v27+s14+$0x0] =	vst.idx.msk vm5, v4  }
0x129: {  	v19 =	vand.u32 $0xFFFFFF00, v19;
	v4 =	vmovc v38;
	vm4 =	vge.f32 v32, $5.000000000e-01;
	v27 =	vshll.u32 v29, $0x1  }
0x12a: {  	v30 =	vshll.u32 v24, $0x1;
	v31 =	vand.u32 $0xFFFFFF00, v31;
	v27 =	vand.u32 $0xFFFFFF00, v27;
	(xrf0) =	vadd.scan.msk.s32 $0xffff, v17  }
0x12b: {  	v19 =	vor.u32 v19, v36;
	v32 =	vand.u32 $0x7F, v23;
	v17 =	vadd.s32 v37, v39  }
0x12c: {  	v22 =	vand.u32 $0x7F, v22;
	[tilespmem:v14+s14+$0x0] =	vst.idx.msk vm12, v16;
	v14 =	vand.u32 $0x7F, v24;
	v24 =	vand.u32 $0xFFFFFF00, v30  }
0x12d: {  	v19 =	vor.u32 $0x80, v19;
	v30 =	vld [tilespmem:s21+$0x20];
	v14 =	vor.u32 v14, v24;
	v24 =	vshll.u32 v17, $0x1  }
0x12e: {  	v35 =	vand.u32 $0x7F, v29;
	v23 =	vshll.u32 v23, $0x1;
	v34 =	vsel vm4, $0x1, v0;
	v33 =	vld [tilespmem:s21+$0x0];
	[tilespmem:v28+s14+$0x0] =	vst.idx.msk vm13, v4  }
0x12f: {  	v22 =	vor.u32 v31, v22;
	v27 =	vor.u32 v35, v27;
	v24 =	vand.u32 $0xFFFFFF00, v24;
	v29 =	vld [tilespmem:s21+$0x30]  }
0x130: {  	v23 =	vand.u32 $0xFFFFFF00, v23;
	v22 =	vor.u32 $0x80, v22;
	v17 =	vand.u32 $0x7F, v17;
	(xrf0) =	vadd.scan.msk.s32 $0xffff, v34;
	v28, _, _ =	vpop (xrf0)  }
0x131: {  	v23 =	vor.u32 v32, v23;
	v17 =	vor.u32 v17, v24;
	v10 =	vadd.s32 v10, v28  }
0x132: {  	v18 =	vand.u32 $0xFFFFFF00, v18;
	vm7 =	vge.f32 v30, $5.000000000e-01;
	[tilespmem:v14+s14+$0x0] =	vst.idx.msk vm11, v5;
	v14 =	vshll.u32 v10, $0x1  }
0x133: {  	v18 =	vor.u32 v18, v26;
	v24 =	vsel vm7, $0x1, v0;
	v14 =	vand.u32 $0xFFFFFF00, v14  }
0x134: {  	v10 =	vand.u32 $0x7F, v10;
	vm6 =	vge.f32 v33, $5.000000000e-01;
	vm5 =	vge.f32 v29, $5.000000000e-01;
	v26 =	vld [tilespmem:s21+$0x40];
	[tilespmem:v27+s14+$0x0] =	vst.idx.msk vm10, v21  }
0x135: {  	v27 =	vsel vm6, $0x1, v0;
	v28 =	vmpcnt.ones.xlane vm6;
	v10 =	vor.u32 v14, v10;
	v29 =	vld [tilespmem:s21+$0x60];
	[tilespmem:v19+s14+$0x0] =	vst.idx.msk vm0, v2;
	v2 =	vmovc v16  }
0x136: {  	v18 =	vor.u32 $0x80, v18;
	v14 =	vadd.s32 v25, v20;
	v10 =	vor.u32 $0x80, v10;
	(xrf0) =	vadd.scan.msk.s32 $0xffff, v27;
	v16, _, _ =	vpop (xrf0)  }
0x137: {  	v20 =	vadd.s32 v15, v13;
	v19 =	vsel vm5, $0x1, v0;
	vm0 =	vmmov vm7;
	[tilespmem:v23+s14+$0x0] =	vst.idx.msk vm8, v11  }
0x138: {  	v15 =	vmpcnt.ones.xlane vm4;
	[tilespmem:v17+s14+$0x0] =	vst.idx.msk vm9, v12;
	(xrf0) =	vadd.scan.msk.s32 $0xffff, v19  }
0x139: {  	v13 =	vadd.s32 v20, v28;
	v17 =	vmpcnt.ones.xlane vm0;
	v19 =	vld [tilespmem:s21+$0x70];
	[tilespmem:v22+s14+$0x0] =	vst.idx.msk vm1, v6;
	v6 =	vmov v21  }
0x13a: {  	v15 =	vadd.s32 v13, v15;
	vm7 =	vge.f32 v26, $5.000000000e-01;
	v21 =	vld [tilespmem:s21+$0x50];
	vm1 =	vge.f32 v29, $5.000000000e-01;
	(xrf0) =	vadd.scan.msk.s32 $0xffff, v24  }
0x13b: {  	v22 =	vmpcnt.ones.xlane vm5;
	v17 =	vadd.s32 v15, v17;
	v23 =	vmpcnt.ones.xlane vm7;
	[tilespmem:v18+s14+$0x0] =	vst.idx.msk vm2, v7;
	v7 =	vmovc v11  }
0x13c: {  	v11 =	vsel vm7, $0x1, v0;
	v24 =	vsel vm1, $0x1, v0;
	v25, _, _ =	vpop (xrf0);
	[tilespmem:v10+s14+$0x0] =	vst.idx.msk vm3, v8;
	v8 =	vmov v12  }
.Ltmp3:
0x13d: {  	v9 =	vadd.s32 $0x80, v9;
	v18 =	vadd.s32 v17, v22;
	v12 =	vmpcnt.ones.xlane vm1;
	(xrf0) =	vadd.scan.msk.s32 $0xffff, v11;
	(pc) =	sbr.rel @p0 .LBB2_9-.Ltmp3, $4  }
0x13e: {  	v10 =	vadd.s32 v18, v23;
	v25 =	vadd.s32 v20, v25;
	vm2 =	vge.f32 v19, $5.000000000e-01;
	v19, _, _ =	vpop (xrf0)  }
0x13f: {  	v20 =	vshll.u32 v25, $0x1;
	vm3 =	vge.f32 v21, $5.000000000e-01;
	v21 =	vsel vm2, $0x1, v0;
	(xrf0) =	vadd.scan.msk.s32 $0xffff, v24  }
0x140: {  	v22 =	vand.u32 $0x7F, v25;
	v23 =	vand.u32 $0xFFFFFF00, v20;
	v20 =	vmpcnt.ones.xlane vm3;
	v11, _, _ =	vpop (xrf0);
	(xrf0) =	vadd.scan.msk.s32 $0xffff, v21  }
0x141: {  	s21 =	sadd.s32 $0x100, s21;
	v21 =	vor.u32 v23, v22;
	v22 =	vadd.s32 v17, v19;
	v17 =	vsel vm3, $0x1, v0  }
0x142: {  	v9 =	vadd.s32 v13, v16;
	v11 =	vadd.s32 v15, v11  }
0x143: {  	v51 =	vand.u32 $0x7F, v22;
	v53 =	vshll.u32 v22, $0x1;
	v54 =	vadd.s32 v10, v20  }
0x144: {  	v58 =	vor.u32 $0x80, v21;
	v52 =	vshll.u32 v9, $0x1;
	v12 =	vadd.s32 v54, v12  }
0x145: {  	v14, _, _ =	vpop (xrf0);
	v9 =	vand.u32 $0x7F, v9;
	v16 =	vand.u32 $0xFFFFFF00, v53;
	v59 =	vand.u32 $0x7F, v11  }
0x146: {  	v11 =	vshll.u32 v11, $0x1;
	v14 =	vadd.s32 v18, v14;
	v15 =	vand.u32 $0xFFFFFF00, v52;
	v19, _, _ =	vpop (xrf0);
	(xrf0) =	vadd.scan.msk.s32 $0xffff, v17  }
0x147: {  	v13 =	vor.u32 v16, v51;
	v11 =	vand.u32 $0xFFFFFF00, v11;
	v55 =	vand.u32 $0x7F, v14  }
0x148: {  	v14 =	vshll.u32 v14, $0x1;
	v9 =	vor.u32 v15, v9;
	v13 =	vor.u32 $0x80, v13  }
0x149: {  	v11 =	vor.u32 v11, v59;
	v56, _, _ =	vpop (xrf0);
	v18 =	vadd.s32 v54, v19;
	v14 =	vand.u32 $0xFFFFFF00, v14  }
0x14a: {  	v9 =	vor.u32 $0x80, v9;
	v11 =	vor.u32 $0x80, v11;
	v12 =	vadd.s32 v12, v56  }
0x14b: {  	v14 =	vor.u32 v14, v55;
	v19 =	vshll.u32 v18, $0x1;
	v60 =	vand.u32 $0x7F, v18  }
0x14c: {  	v57 =	vshll.u32 v12, $0x1;
	v14 =	vor.u32 $0x80, v14;
	v19 =	vand.u32 $0xFFFFFF00, v19;
	v61, _, _ =	vpop (xrf0)  }
0x14d: {  	v12 =	vand.u32 $0x7F, v12;
	v16 =	vor.u32 v19, v60;
	v62 =	vadd.s32 v10, v61  }
0x14e: {  	v15 =	vand.u32 $0xFFFFFF00, v57;
	v16 =	vor.u32 $0x80, v16;
	v18 =	vshll.u32 v62, $0x1  }
0x14f: {  	v63 =	vor.u32 v15, v12;
	[tilespmem:v9+s14+$0x0] =	vst.idx.msk vm4, v3;
	v10 =	vand.u32 $0x7F, v62;
	v3 =	vand.u32 $0xFFFFFF00, v18  }
0x150: {  	[tilespmem:v58+s14+$0x0] =	vst.idx.msk vm6, v1;
	v1 =	vor.u32 v3, v10;
	v3 =	vor.u32 $0x80, v63  }
0x151: {  	s18 =	sadd.s32 $0x1, s18;
	[tilespmem:v13+s14+$0x0] =	vst.idx.msk vm5, v4;
	v1 =	vor.u32 $0x80, v1  }
0x152: {  	p0 =	sne.s32 s18, $0x80;
	[tilespmem:v11+s14+$0x0] =	vst.idx.msk vm0, v2  }
.Ltmp4:
0x153: {  	[tilespmem:v14+s14+$0x0] =	vst.idx.msk vm7, v5;
	(pc) =	sbr.rel @p0 .LBB2_2-.Ltmp4, $4  }
0x154: {  	[tilespmem:v16+s14+$0x0] =	vst.idx.msk vm1, v6  }
0x155: {  	[tilespmem:v3+s14+$0x0] =	vst.idx.msk vm2, v7  }
0x156: {  	s19 =	sadd.s32 s2, s19;
	[tilespmem:v1+s14+$0x0] =	vst.idx.msk vm3, v8  }
0x157: {  	[hbm4b:s19+s8] =	stream.strided.scatter [tilespmem:s14], [sflag:$0x4], $0x2000, s9, s8, $0x38;
	[tilespmem:$0x8000] =	vst v63  }
0x158: {  	_ =	swait.ge [sflag:s10], $0x2000  }
0x159: {  	[sflag:s10] =	ssyncset.done $0x0  }
0x15a: {  	s17 =	sadd.s32 $0x1, s17;
	[sflag:s10] =	ssyncadd.s32 $0xFFFFE000  }
0x15b: {  	p0 =	sne.s32 s17, s7;
	_ =	swait.ge [sflag:s15], $0x2000  }
.Ltmp5:
0x15c: {  	[sflag:s15] =	ssyncset.done $0x0;
	(pc) =	sbr.rel @p0 .LBB2_1-.Ltmp5, $4  }
0x15d: {  	[sflag:s15] =	ssyncadd.s32 $0xFFFFE000  }
0x15e: {  	_ =	swait.ge [sflag:s16], $0x2000  }
0x15f: {  	[sflag:s16] =	ssyncset.done $0x0  }
0x160: {  	[sflag:s16] =	ssyncadd.s32 $0xFFFFE000  }
0x161: {  	_ =	sfence.sel $0x180000  }
0x162: {  	[bflag:$0x0] =	sbarrier.arrive $0xFFFF  }
0x163: {  	p0 =	sne.s32 s3, $0x0;
	_ =	strace $0x90000047  }
0x164: {  	s0 =	sadd.s32 @!p0 $0x100000, s0;
	[bflag:$0x2] =	sbarrier.arrive $0xFFFF  }
0x165: {  	[sflag:s0] =	ssyncadd.tile.s32 @!p0 $0x1;
	_ =	shalt  }
.Lfunc_end2:
_tile_overlayer_lowered:
.L_overlay_start_2:
0x166: {  	(tag) =	ssettag $0x2  }
0x167: {  	s0 =	rddreg [dreg:$0x0];
	s2 =	stileid.u32  }
0x168: {  	s1 =	rddreg [dreg:$0x1];
	p0 =	sne.s32 s2, $0x0  }
0x169: {  	s3 =	rddreg [dreg:$0x2];
	[bflag:$0x3] =	sbarrier.arrive $0xFFFF;
	s2 =	simm.s32 @!p0 $0x1C05  }
0x16a: {  	[timem:s3], [sflag:s2] =	dma.local @!p0 [hbm:s0], s1  }
0x16b: {  	s0 =	simm.s32 @!p0 $0x5  }
0x16c: {  	_ =	swait.ge @!p0 [sflag:s0], s1  }
0x16d: {  	s1 =	ssub.s32 @!p0 $0x0, s1;
	[sflag:s0] =	ssyncset.done @!p0 $0x0  }
0x16e: {  	[sflag:s0] =	ssyncadd.s32 @!p0 s1  }
0x16f: {  	[bflag:$0x3] =	sbarrier.arrive $0xFFFF  }
0x170: {  	_ =	shalt  }

</sc_bundles>
